<compile_context>
chip_gen: v7x
topology: tpu7x:2x2x1
jax: 0.10.2.dev20260603
libtpu: 0.0.44.dev20260713+nightly
codegen_flags: <defaults>
</compile_context>

<pallas_src>
import functools
import math

import jax
import jax.numpy as jnp
from jax import lax
from jax.experimental import pallas as pl
from jax.experimental.pallas import tpu as pltpu
import jax.experimental.pallas.tpu_sc as plsc

_NC = 2
_NS = 16
_NW = _NC * _NS

_LN_EPS = 1e-5


def _ln(h, g, b):
    mu = jnp.mean(h, axis=-1, keepdims=True)
    var = jnp.mean((h - mu) ** 2, axis=-1, keepdims=True)
    return (h - mu) / jnp.sqrt(var + _LN_EPS) * g + b


def _node_kernel(x_ref, pos_ref, Wf_ref, bf_ref, gf_ref, bef_ref, Ww1_ref,
                 Ww2_ref, Wq_ref, bq_ref, Wp_ref, si_ref, sj_ref):
    x = x_ref[...]
    h = jnp.maximum(
        jnp.dot(x, Wf_ref[...], preferred_element_type=jnp.float32)
        + bf_ref[...], 0.0)
    f = _ln(h, gf_ref[...], bef_ref[...])
    pos = pos_ref[...]
    fw = jnp.dot(f, Ww1_ref[...], preferred_element_type=jnp.float32) \
        + jnp.dot(pos, Ww2_ref[...], preferred_element_type=jnp.float32)
    q = jnp.dot(f, Wq_ref[...], preferred_element_type=jnp.float32) + bq_ref[...]
    pp = jnp.dot(pos, Wp_ref[...], preferred_element_type=jnp.float32)
    si_ref[:, 0:128] = fw
    si_ref[:, 128:256] = q
    si_ref[:, 256:384] = pp
    sj_ref[:, 0:128] = fw
    sj_ref[:, 128:256] = pp


def _edge_kernel(gi_ref, gj_ref, bwf_ref, gwf_ref, bewf_ref,
                 bp_ref, gp_ref, bep_ref, Wk_ref, bk_ref, p_ref, e_ref):
    gi = gi_ref[...]
    gj = gj_ref[...]
    h = gi[:, 0:128] - gj[:, 0:128] + bwf_ref[...]
    wij = _ln(jnp.maximum(h, 0.0), gwf_ref[...], bewf_ref[...])
    pe = gi[:, 256:384] - gj[:, 128:256] + bp_ref[...]
    pe = _ln(jnp.maximum(pe, 0.0), gp_ref[...], bep_ref[...])
    key = jnp.dot(wij, Wk_ref[...], preferred_element_type=jnp.float32) \
        + bk_ref[...]
    qi = gi[:, 128:256]
    s = jnp.sum((qi + pe) * key, axis=-1, keepdims=True) * (1.0 / math.sqrt(128.0))
    e = jnp.exp(s)
    p_ref[...] = e * wij
    e_ref[...] = e


def _final_kernel(acc_ref, dn_ref, x_ref, gfin_ref, befin_ref, o_ref):
    a = acc_ref[...]
    numer = a[0] + a[1]
    den = jnp.sum(dn_ref[...], axis=-1, keepdims=True)
    agg = numer / (den + 1e-16)
    o_ref[...] = _ln(agg + x_ref[...], gfin_ref[...], befin_ref[...])


def _make_gather(N, E, ch, nch):
    epw = E // _NW
    mesh = plsc.VectorSubcoreMesh(core_axis_name="c", subcore_axis_name="s",
                                  num_cores=_NC, num_subcores=_NS)

    nb = 2

    @functools.partial(
        pl.kernel, mesh=mesh,
        out_type=[jax.ShapeDtypeStruct((E, 384), jnp.float32),
                  jax.ShapeDtypeStruct((E, 256), jnp.float32)],
        scratch_types=[[pltpu.VMEM((ch,), jnp.int32)] * nb,
                       [pltpu.VMEM((ch,), jnp.int32)] * nb,
                       [pltpu.VMEM((ch, 384), jnp.float32)] * nb,
                       [pltpu.VMEM((ch, 256), jnp.float32)] * nb,
                       [pltpu.SemaphoreType.DMA] * nb,
                       [pltpu.SemaphoreType.DMA] * nb,
                       [pltpu.SemaphoreType.DMA] * nb,
                       [pltpu.SemaphoreType.DMA] * nb],
        compiler_params=pltpu.CompilerParams(needs_layout_passes=False))
    def gather(si_hbm, sj_hbm, src_hbm, dst_hbm, gi_hbm, gj_hbm,
               idxs_v, idxd_v, gi_v, gj_v, s_is, s_id, s_gi, s_gj):
        wid = lax.axis_index("s") * _NC + lax.axis_index("c")
        base_w = wid * epw

        def body(t, carry):
            c0 = t * nb
            di = []
            for b in range(nb):
                ib = base_w + (c0 + b) * ch
                di.append((
                    pltpu.async_copy(src_hbm.at[pl.ds(ib, ch)], idxs_v[b], s_is[b]),
                    pltpu.async_copy(dst_hbm.at[pl.ds(ib, ch)], idxd_v[b], s_id[b])))
            gs = []
            for b in range(nb):
                di[b][0].wait()
                di[b][1].wait()
                gs.append((
                    pltpu.async_copy(si_hbm.at[idxd_v[b]], gi_v[b], s_gi[b]),
                    pltpu.async_copy(sj_hbm.at[idxs_v[b]], gj_v[b], s_gj[b])))
            ws = []
            for b in range(nb):
                base = base_w + (c0 + b) * ch
                gs[b][0].wait()
                gs[b][1].wait()
                ws.append((
                    pltpu.async_copy(gi_v[b], gi_hbm.at[pl.ds(base, ch)], s_gi[b]),
                    pltpu.async_copy(gj_v[b], gj_hbm.at[pl.ds(base, ch)], s_gj[b])))
            for b in range(nb):
                ws[b][0].wait()
                ws[b][1].wait()
            return carry

        lax.fori_loop(0, nch // nb, body, 0)

        def tail(c, carry):
            ib = base_w + c * ch
            pltpu.async_copy(src_hbm.at[pl.ds(ib, ch)], idxs_v[0], s_is[0]).wait()
            pltpu.async_copy(dst_hbm.at[pl.ds(ib, ch)], idxd_v[0], s_id[0]).wait()
            d1 = pltpu.async_copy(si_hbm.at[idxd_v[0]], gi_v[0], s_gi[0])
            d2 = pltpu.async_copy(sj_hbm.at[idxs_v[0]], gj_v[0], s_gj[0])
            d1.wait()
            d2.wait()
            base = base_w + c * ch
            d3 = pltpu.async_copy(gi_v[0], gi_hbm.at[pl.ds(base, ch)], s_gi[0])
            d4 = pltpu.async_copy(gj_v[0], gj_hbm.at[pl.ds(base, ch)], s_gj[0])
            d3.wait()
            d4.wait()
            return carry

        lax.fori_loop(nch - nch % nb, nch, tail, 0)

    return gather


def _make_scatter(N, E, ch, nch):
    epw = E // _NW
    npt = 624
    rem = N - npt * _NS
    mesh = plsc.VectorSubcoreMesh(core_axis_name="c", subcore_axis_name="s",
                                  num_cores=_NC, num_subcores=_NS)

    @functools.partial(
        pl.kernel, mesh=mesh,
        out_type=[jax.ShapeDtypeStruct((_NC, N, 128), jnp.float32),
                  jax.ShapeDtypeStruct((_NW, N), jnp.float32)],
        scratch_types=[[pltpu.VMEM((ch,), jnp.int32)] * 2,
                       [pltpu.VMEM((ch,), jnp.float32)] * 2,
                       [pltpu.VMEM((ch, 128), jnp.float32)] * 2,
                       pltpu.VMEM((N,), jnp.float32),
                       pltpu.VMEM_SHARED((N, 128), jnp.float32),
                       [pltpu.SemaphoreType.DMA] * 2,
                       [pltpu.SemaphoreType.DMA] * 2,
                       [pltpu.SemaphoreType.DMA] * 2],
        compiler_params=pltpu.CompilerParams(needs_layout_passes=False))
    def scatter(p_hbm, e_hbm, dst_hbm, zero_hbm, acc_hbm, dnt_hbm,
                ic_v, ev_v, rows_v, dn_v, shared, s_ic, s_ev, s_row):
        cid = lax.axis_index("c")
        sid = lax.axis_index("s")
        wid = sid * _NC + cid
        pltpu.sync_copy(zero_hbm.at[pl.ds(sid * npt, npt)],
                        shared.at[pl.ds(sid * npt, npt)])

        @pl.when(sid == 0)
        def _():
            pltpu.sync_copy(zero_hbm.at[pl.ds(_NS * npt, rem)],
                            shared.at[pl.ds(_NS * npt, rem)])

        def zbody(k, carry):
            dn_v[pl.ds(k * 16, 16)] = jnp.zeros((16,), jnp.float32)
            return carry

        lax.fori_loop(0, N // 16, zbody, 0)
        plsc.subcore_barrier()
        base_w = wid * epw

        def body(t, carry):
            c0 = t * 2
            ds = []
            for b in range(2):
                ib = base_w + (c0 + b) * ch
                ds.append((
                    pltpu.async_copy(dst_hbm.at[pl.ds(ib, ch)], ic_v[b], s_ic[b]),
                    pltpu.async_copy(e_hbm.at[pl.ds(ib, ch)], ev_v[b], s_ev[b]),
                    pltpu.async_copy(p_hbm.at[pl.ds(ib, ch)],
                                     rows_v[b], s_row[b])))
            for b in range(2):
                ds[b][0].wait()
                ds[b][1].wait()
                ds[b][2].wait()
                pltpu.sync_copy(rows_v[b], shared.at[ic_v[b]], add=True)

                def dbody(k, carry2, _b=b):
                    iv = ic_v[_b][pl.ds(k * 16, 16)]
                    ev = ev_v[_b][pl.ds(k * 16, 16)]
                    plsc.addupdate_scatter(dn_v, [iv], ev)
                    return carry2

                lax.fori_loop(0, ch // 16, dbody, 0)
            return carry

        lax.fori_loop(0, nch // 2, body, 0)

        def tail(c, carry):
            ib = base_w + c * ch
            d1 = pltpu.async_copy(dst_hbm.at[pl.ds(ib, ch)], ic_v[0], s_ic[0])
            d2 = pltpu.async_copy(e_hbm.at[pl.ds(ib, ch)], ev_v[0], s_ev[0])
            d3 = pltpu.async_copy(p_hbm.at[pl.ds(ib, ch)],
                                  rows_v[0], s_row[0])
            d1.wait()
            d2.wait()
            d3.wait()
            pltpu.sync_copy(rows_v[0], shared.at[ic_v[0]], add=True)

            def tbody(k, carry2):
                iv = ic_v[0][pl.ds(k * 16, 16)]
                ev = ev_v[0][pl.ds(k * 16, 16)]
                plsc.addupdate_scatter(dn_v, [iv], ev)
                return carry2

            lax.fori_loop(0, ch // 16, tbody, 0)
            return carry

        lax.fori_loop(nch - nch % 2, nch, tail, 0)
        plsc.subcore_barrier()
        pltpu.sync_copy(shared.at[pl.ds(sid * npt, npt)],
                        acc_hbm.at[cid, pl.ds(sid * npt, npt)])

        @pl.when(sid == 0)
        def _():
            pltpu.sync_copy(shared.at[pl.ds(_NS * npt, rem)],
                            acc_hbm.at[cid, pl.ds(_NS * npt, rem)])

        pltpu.sync_copy(dn_v, dnt_hbm.at[wid])

    return scatter


def kernel(x, pos, edge_index, W_feat, b_feat, g_feat, be_feat, W_wf, b_wf,
           g_wf, be_wf, W_q, b_q, W_k, b_k, W_pos, b_pos, g_pos, be_pos,
           g_fin, be_fin):
    N, D = x.shape
    E = edge_index.shape[1]
    ch = 80
    nch = (E // _NW) // ch

    Ww1 = W_wf[:D]
    Ww2 = W_wf[D:]
    row = lambda v: v.reshape(1, -1)
    src1 = edge_index[0].astype(jnp.int32)
    dst1 = edge_index[1].astype(jnp.int32)

    bn = 1000
    full = lambda shp: pl.BlockSpec(shp, lambda i: (0, 0))
    si, sj = pl.pallas_call(
        _node_kernel,
        grid=(N // bn,),
        in_specs=[
            pl.BlockSpec((bn, 128), lambda i: (i, 0)),
            pl.BlockSpec((bn, 3), lambda i: (i, 0)),
            full((128, 128)), full((1, 128)), full((1, 128)), full((1, 128)),
            full((128, 128)), full((3, 128)), full((128, 128)), full((1, 128)),
            full((3, 128)),
        ],
        out_specs=[pl.BlockSpec((bn, 384), lambda i: (i, 0)),
                   pl.BlockSpec((bn, 256), lambda i: (i, 0))],
        out_shape=[jax.ShapeDtypeStruct((N, 384), jnp.float32),
                   jax.ShapeDtypeStruct((N, 256), jnp.float32)],
    )(x, pos, W_feat, row(b_feat), row(g_feat), row(be_feat), Ww1, Ww2,
      W_q, row(b_q), W_pos)

    gi, gj = _make_gather(N, E, ch, nch)(si, sj, src1, dst1)

    be = 2560
    p, ev = pl.pallas_call(
        _edge_kernel,
        grid=(E // be,),
        in_specs=[
            pl.BlockSpec((be, 384), lambda i: (i, 0)),
            pl.BlockSpec((be, 256), lambda i: (i, 0)),
            full((1, 128)), full((1, 128)), full((1, 128)),
            full((1, 128)), full((1, 128)), full((1, 128)),
            full((128, 128)), full((1, 128)),
        ],
        out_specs=[pl.BlockSpec((be, 128), lambda i: (i, 0)),
                   pl.BlockSpec((be, 1), lambda i: (i, 0))],
        out_shape=[jax.ShapeDtypeStruct((E, 128), jnp.float32),
                   jax.ShapeDtypeStruct((E, 1), jnp.float32)],
    )(gi, gj, row(b_wf), row(g_wf), row(be_wf), row(b_pos),
      row(g_pos), row(be_pos), W_k, row(b_k))

    zero = jnp.zeros((N, 128), jnp.float32)
    e1 = ev.reshape(E)
    acc, dnt = _make_scatter(N, E, ch, nch)(p, e1, dst1, zero)
    dnt = dnt.T

    out = pl.pallas_call(
        _final_kernel,
        grid=(N // bn,),
        in_specs=[
            pl.BlockSpec((_NC, bn, 128), lambda i: (0, i, 0)),
            pl.BlockSpec((bn, _NW), lambda i: (i, 0)),
            pl.BlockSpec((bn, 128), lambda i: (i, 0)),
            full((1, 128)), full((1, 128)),
        ],
        out_specs=pl.BlockSpec((bn, 128), lambda i: (i, 0)),
        out_shape=jax.ShapeDtypeStruct((N, 128), jnp.float32),
    )(acc, dnt, x, row(g_fin), row(be_fin))
    return out

# --- scband reference (transcript-rebuilt; emitter-appended) ---
"""Pipeline reference for scband-asgformer-41618233098812 (READ-ONLY COPY).

The authoritative reference and input builder live on the scoring server;
editing this copy changes nothing except your own understanding.
"""

import jax, jax.numpy as jnp
import numpy as np
import math

N = 10000
E = 320000
D = 128

def _layernorm(h, g, b):
    mu = jnp.mean(h, axis=-1, keepdims=True)
    var = jnp.mean((h - mu) ** 2, axis=-1, keepdims=True)
    return (h - mu) / jnp.sqrt(var + 1e-5) * g + b

def setup_inputs(seed: int = 0):
    key = jax.random.key(seed)
    ks = jax.random.split(key, 8)
    inp = {}
    inp["x"] = jax.random.normal(ks[0], (N, D), dtype=jnp.float32)
    inp["pos"] = jax.random.normal(ks[1], (N, 3), dtype=jnp.float32)
    inp["edge_index"] = jax.random.randint(ks[2], (2, E), 0, N)
    inp["W_feat"] = jax.random.normal(ks[3], (D, D), dtype=jnp.float32) / math.sqrt(D)
    inp["b_feat"] = jnp.zeros((D,), jnp.float32)
    inp["g_feat"] = jnp.ones((D,), jnp.float32)
    inp["be_feat"] = jnp.zeros((D,), jnp.float32)
    inp["W_wf"] = jax.random.normal(ks[4], (D + 3, D), dtype=jnp.float32) / math.sqrt(D + 3)
    inp["b_wf"] = jnp.zeros((D,), jnp.float32)
    inp["g_wf"] = jnp.ones((D,), jnp.float32)
    inp["be_wf"] = jnp.zeros((D,), jnp.float32)
    inp["W_q"] = jax.random.normal(ks[5], (D, D), dtype=jnp.float32) / math.sqrt(D)
    inp["b_q"] = jnp.zeros((D,), jnp.float32)
    inp["W_k"] = jax.random.normal(ks[6], (D, D), dtype=jnp.float32) / math.sqrt(D)
    inp["b_k"] = jnp.zeros((D,), jnp.float32)
    inp["W_pos"] = jax.random.normal(ks[7], (3, D), dtype=jnp.float32) / math.sqrt(3)
    inp["b_pos"] = jnp.zeros((D,), jnp.float32)
    inp["g_pos"] = jnp.ones((D,), jnp.float32)
    inp["be_pos"] = jnp.zeros((D,), jnp.float32)
    inp["g_fin"] = jnp.ones((D,), jnp.float32)
    inp["be_fin"] = jnp.zeros((D,), jnp.float32)
    return inp

def reference(x, pos, edge_index, W_feat, b_feat, g_feat, be_feat, W_wf, b_wf, g_wf, be_wf, W_q, b_q, W_k, b_k, W_pos, b_pos, g_pos, be_pos, g_fin, be_fin):
    src = edge_index[0]
    dst = edge_index[1]
    # mlp_feature: Linear -> ReLU -> LayerNorm
    features = _layernorm(jax.nn.relu(x @ W_feat + b_feat), g_feat, be_feat)
    # gather per-edge endpoints (flow source_to_target: x_j = source, x_i = target)
    x_j = jnp.take(features, src, axis=0)
    x_i = jnp.take(features, dst, axis=0)
    p_j = jnp.take(pos, src, axis=0)
    p_i = jnp.take(pos, dst, axis=0)
    delta_f = x_i - x_j
    delta_p = p_i - p_j
    cat = jnp.concatenate([delta_f, delta_p], axis=-1)
    W_ij = _layernorm(jax.nn.relu(cat @ W_wf + b_wf), g_wf, be_wf)
    pos_emb = _layernorm(jax.nn.relu(delta_p @ W_pos + b_pos), g_pos, be_pos)
    query = (x_i @ W_q + b_q) + pos_emb
    key_e = W_ij @ W_k + b_k
    score = jnp.sum(query * key_e, axis=-1) / math.sqrt(D)
    # pyg softmax over destination-node segments
    mx = jax.ops.segment_max(score, dst, num_segments=N)
    mx = jnp.where(jnp.isfinite(mx), mx, 0.0)
    e = jnp.exp(score - jnp.take(mx, dst))
    denom = jax.ops.segment_sum(e, dst, num_segments=N)
    attn = e / (jnp.take(denom, dst) + 1e-16)
    msg = attn[:, None] * W_ij
    # aggr='add' scatter to destination nodes
    agg = jax.ops.segment_sum(msg, dst, num_segments=N)
    # residual is Identity (in_channels == out_channels); dropout is identity in eval
    out = _layernorm(agg + x, g_fin, be_fin)
    return out

if __name__ == "__main__":
    import jax
    _d = setup_inputs()
    print(jax.jit(kernel)(*tuple(_d.values())))

</pallas_src>

<mosaic_0001>
#map = affine_map<(d0, d1) -> (0, 0)>
#map1 = affine_map<(d0, d1) -> (0)>
module attributes {stable_mosaic.version = 14 : i64} {
  func.func @gather(%arg0: i32, %arg1: i32, %arg2: memref<10000x384xf32, #tpu.memory_space<hbm>>, %arg3: memref<10000x256xf32, #tpu.memory_space<hbm>>, %arg4: memref<320000xi32, #tpu.memory_space<hbm>>, %arg5: memref<320000xi32, #tpu.memory_space<hbm>>, %arg6: memref<320000x384xf32, #tpu.memory_space<hbm>>, %arg7: memref<320000x256xf32, #tpu.memory_space<hbm>>, %arg8: memref<80xi32, #tpu.memory_space<vmem>>, %arg9: memref<80xi32, #tpu.memory_space<vmem>>, %arg10: memref<80xi32, #tpu.memory_space<vmem>>, %arg11: memref<80xi32, #tpu.memory_space<vmem>>, %arg12: memref<80x384xf32, #tpu.memory_space<vmem>>, %arg13: memref<80x384xf32, #tpu.memory_space<vmem>>, %arg14: memref<80x256xf32, #tpu.memory_space<vmem>>, %arg15: memref<80x256xf32, #tpu.memory_space<vmem>>, %arg16: memref<!tpu.dma_semaphore, #tpu.memory_space<semaphore_mem>>, %arg17: memref<!tpu.dma_semaphore, #tpu.memory_space<semaphore_mem>>, %arg18: memref<!tpu.dma_semaphore, #tpu.memory_space<semaphore_mem>>, %arg19: memref<!tpu.dma_semaphore, #tpu.memory_space<semaphore_mem>>, %arg20: memref<!tpu.dma_semaphore, #tpu.memory_space<semaphore_mem>>, %arg21: memref<!tpu.dma_semaphore, #tpu.memory_space<semaphore_mem>>, %arg22: memref<!tpu.dma_semaphore, #tpu.memory_space<semaphore_mem>>, %arg23: memref<!tpu.dma_semaphore, #tpu.memory_space<semaphore_mem>>) attributes {dimension_semantics = [#tpu.dimension_semantics<core_parallel>, #tpu.dimension_semantics<subcore_parallel>], iteration_bounds = array<i64: 2, 16>, scalar_prefetch = 0 : i64, scratch_operands = 16 : i64, tpu.core_type = #tpu.core_type<sc_vector_subcore>, window_params = [{transform_indices = #map}, {transform_indices = #map}, {transform_indices = #map1}, {transform_indices = #map1}, {transform_indices = #map}, {transform_indices = #map}]} {
    %mul3A = arith.constant 2 : i32
    %mul3A_0 = arith.muli %arg1, %mul3A : i32
    %add3A = arith.addi %mul3A_0, %arg0 : i32
    %mul3A_1 = arith.constant 10000 : i32
    %mul3A_2 = arith.muli %add3A, %mul3A_1 : i32
    %scan3A = arith.constant 0 : i32
    %scan3A_3 = arith.constant 0 : i32
    %scan3A_4 = arith.constant 62 : i32
    %scan3A_5 = arith.addi %scan3A_3, %scan3A_4 : i32
    %scan3A_6 = arith.constant 1 : i32
    scf.for %scan3A_51 = %scan3A_3 to %scan3A_5 step %scan3A_6  : i32 {
      %mul3A_52 = arith.constant 2 : i32
      %mul3A_53 = arith.muli %scan3A_51, %mul3A_52 : i32
      %add3A_54 = arith.constant 0 : i32
      %add3A_55 = arith.addi %mul3A_53, %add3A_54 : i32
      %mul3A_56 = arith.constant 80 : i32
      %mul3A_57 = arith.muli %add3A_55, %mul3A_56 : i32
      %add3A_58 = arith.addi %mul3A_2, %mul3A_57 : i32
      %dma_start3A_59 = tpu.memref_slice %arg4[%add3A_58] : memref<320000xi32, #tpu.memory_space<hbm>> -> memref<80xi32, #tpu.memory_space<hbm>>
      %dma_start3A_60 = tpu.memref_slice %arg4[%add3A_58] : memref<320000xi32, #tpu.memory_space<hbm>> -> memref<80xi32, #tpu.memory_space<hbm>>
      tpu.enqueue_dma source(%dma_start3A_60 : memref<80xi32, #tpu.memory_space<hbm>>) target(%arg8 : memref<80xi32, #tpu.memory_space<vmem>>) target_semaphore(%arg16 : memref<!tpu.dma_semaphore, #tpu.memory_space<semaphore_mem>>)
      %dma_start3A_61 = tpu.memref_slice %arg5[%add3A_58] : memref<320000xi32, #tpu.memory_space<hbm>> -> memref<80xi32, #tpu.memory_space<hbm>>
      %dma_start3A_62 = tpu.memref_slice %arg5[%add3A_58] : memref<320000xi32, #tpu.memory_space<hbm>> -> memref<80xi32, #tpu.memory_space<hbm>>
      tpu.enqueue_dma source(%dma_start3A_62 : memref<80xi32, #tpu.memory_space<hbm>>) target(%arg10 : memref<80xi32, #tpu.memory_space<vmem>>) target_semaphore(%arg18 : memref<!tpu.dma_semaphore, #tpu.memory_space<semaphore_mem>>)
      %add3A_63 = arith.constant 1 : i32
      %add3A_64 = arith.addi %mul3A_53, %add3A_63 : i32
      %mul3A_65 = arith.constant 80 : i32
      %mul3A_66 = arith.muli %add3A_64, %mul3A_65 : i32
      %add3A_67 = arith.addi %mul3A_2, %mul3A_66 : i32
      %dma_start3A_68 = tpu.memref_slice %arg4[%add3A_67] : memref<320000xi32, #tpu.memory_space<hbm>> -> memref<80xi32, #tpu.memory_space<hbm>>
      %dma_start3A_69 = tpu.memref_slice %arg4[%add3A_67] : memref<320000xi32, #tpu.memory_space<hbm>> -> memref<80xi32, #tpu.memory_space<hbm>>
      tpu.enqueue_dma source(%dma_start3A_69 : memref<80xi32, #tpu.memory_space<hbm>>) target(%arg9 : memref<80xi32, #tpu.memory_space<vmem>>) target_semaphore(%arg17 : memref<!tpu.dma_semaphore, #tpu.memory_space<semaphore_mem>>)
      %dma_start3A_70 = tpu.memref_slice %arg5[%add3A_67] : memref<320000xi32, #tpu.memory_space<hbm>> -> memref<80xi32, #tpu.memory_space<hbm>>
      %dma_start3A_71 = tpu.memref_slice %arg5[%add3A_67] : memref<320000xi32, #tpu.memory_space<hbm>> -> memref<80xi32, #tpu.memory_space<hbm>>
      tpu.enqueue_dma source(%dma_start3A_71 : memref<80xi32, #tpu.memory_space<hbm>>) target(%arg11 : memref<80xi32, #tpu.memory_space<vmem>>) target_semaphore(%arg19 : memref<!tpu.dma_semaphore, #tpu.memory_space<semaphore_mem>>)
      %dma_wait3A_72 = tpu.memref_slice %arg4[%add3A_58] : memref<320000xi32, #tpu.memory_space<hbm>> -> memref<80xi32, #tpu.memory_space<hbm>>
      %dma_wait3A_73 = tpu.memref_slice %arg4[%add3A_58] : memref<320000xi32, #tpu.memory_space<hbm>> -> memref<80xi32, #tpu.memory_space<hbm>>
      tpu.wait_dma2 semaphore(%arg16 : memref<!tpu.dma_semaphore, #tpu.memory_space<semaphore_mem>>) src(%dma_wait3A_73 : memref<80xi32, #tpu.memory_space<hbm>>) dst(%arg8 : memref<80xi32, #tpu.memory_space<vmem>>)
      %dma_wait3A_74 = tpu.memref_slice %arg5[%add3A_58] : memref<320000xi32, #tpu.memory_space<hbm>> -> memref<80xi32, #tpu.memory_space<hbm>>
      %dma_wait3A_75 = tpu.memref_slice %arg5[%add3A_58] : memref<320000xi32, #tpu.memory_space<hbm>> -> memref<80xi32, #tpu.memory_space<hbm>>
      tpu.wait_dma2 semaphore(%arg18 : memref<!tpu.dma_semaphore, #tpu.memory_space<semaphore_mem>>) src(%dma_wait3A_75 : memref<80xi32, #tpu.memory_space<hbm>>) dst(%arg10 : memref<80xi32, #tpu.memory_space<vmem>>)
      %dma_start3A_76 = arith.constant 0 : i32
      %dma_start3A_77 = arith.constant 0 : i32
      %dma_start3A_78 = tpu.memref_slice %arg2[%dma_start3A_76, %dma_start3A_77] : memref<10000x384xf32, #tpu.memory_space<hbm>> -> memref<10000x384xf32, #tpu.memory_space<hbm>>
      tpu.enqueue_indirect_dma source(%dma_start3A_78 : memref<10000x384xf32, #tpu.memory_space<hbm>>) target(%arg12 : memref<80x384xf32, #tpu.memory_space<vmem>>) offsets(%arg10 : memref<80xi32, #tpu.memory_space<vmem>>) semaphore(%arg20 : memref<!tpu.dma_semaphore, #tpu.memory_space<semaphore_mem>>)
      %dma_start3A_79 = arith.constant 0 : i32
      %dma_start3A_80 = arith.constant 0 : i32
      %dma_start3A_81 = tpu.memref_slice %arg3[%dma_start3A_79, %dma_start3A_80] : memref<10000x256xf32, #tpu.memory_space<hbm>> -> memref<10000x256xf32, #tpu.memory_space<hbm>>
      tpu.enqueue_indirect_dma source(%dma_start3A_81 : memref<10000x256xf32, #tpu.memory_space<hbm>>) target(%arg14 : memref<80x256xf32, #tpu.memory_space<vmem>>) offsets(%arg8 : memref<80xi32, #tpu.memory_space<vmem>>) semaphore(%arg22 : memref<!tpu.dma_semaphore, #tpu.memory_space<semaphore_mem>>)
      %dma_wait3A_82 = tpu.memref_slice %arg4[%add3A_67] : memref<320000xi32, #tpu.memory_space<hbm>> -> memref<80xi32, #tpu.memory_space<hbm>>
      %dma_wait3A_83 = tpu.memref_slice %arg4[%add3A_67] : memref<320000xi32, #tpu.memory_space<hbm>> -> memref<80xi32, #tpu.memory_space<hbm>>
      tpu.wait_dma2 semaphore(%arg17 : memref<!tpu.dma_semaphore, #tpu.memory_space<semaphore_mem>>) src(%dma_wait3A_83 : memref<80xi32, #tpu.memory_space<hbm>>) dst(%arg9 : memref<80xi32, #tpu.memory_space<vmem>>)
      %dma_wait3A_84 = tpu.memref_slice %arg5[%add3A_67] : memref<320000xi32, #tpu.memory_space<hbm>> -> memref<80xi32, #tpu.memory_space<hbm>>
      %dma_wait3A_85 = tpu.memref_slice %arg5[%add3A_67] : memref<320000xi32, #tpu.memory_space<hbm>> -> memref<80xi32, #tpu.memory_space<hbm>>
      tpu.wait_dma2 semaphore(%arg19 : memref<!tpu.dma_semaphore, #tpu.memory_space<semaphore_mem>>) src(%dma_wait3A_85 : memref<80xi32, #tpu.memory_space<hbm>>) dst(%arg11 : memref<80xi32, #tpu.memory_space<vmem>>)
      %dma_start3A_86 = arith.constant 0 : i32
      %dma_start3A_87 = arith.constant 0 : i32
      %dma_start3A_88 = tpu.memref_slice %arg2[%dma_start3A_86, %dma_start3A_87] : memref<10000x384xf32, #tpu.memory_space<hbm>> -> memref<10000x384xf32, #tpu.memory_space<hbm>>
      tpu.enqueue_indirect_dma source(%dma_start3A_88 : memref<10000x384xf32, #tpu.memory_space<hbm>>) target(%arg13 : memref<80x384xf32, #tpu.memory_space<vmem>>) offsets(%arg11 : memref<80xi32, #tpu.memory_space<vmem>>) semaphore(%arg21 : memref<!tpu.dma_semaphore, #tpu.memory_space<semaphore_mem>>)
      %dma_start3A_89 = arith.constant 0 : i32
      %dma_start3A_90 = arith.constant 0 : i32
      %dma_start3A_91 = tpu.memref_slice %arg3[%dma_start3A_89, %dma_start3A_90] : memref<10000x256xf32, #tpu.memory_space<hbm>> -> memref<10000x256xf32, #tpu.memory_space<hbm>>
      tpu.enqueue_indirect_dma source(%dma_start3A_91 : memref<10000x256xf32, #tpu.memory_space<hbm>>) target(%arg15 : memref<80x256xf32, #tpu.memory_space<vmem>>) offsets(%arg9 : memref<80xi32, #tpu.memory_space<vmem>>) semaphore(%arg23 : memref<!tpu.dma_semaphore, #tpu.memory_space<semaphore_mem>>)
      %add3A_92 = arith.constant 0 : i32
      %add3A_93 = arith.addi %mul3A_53, %add3A_92 : i32
      %mul3A_94 = arith.constant 80 : i32
      %mul3A_95 = arith.muli %add3A_93, %mul3A_94 : i32
      %add3A_96 = arith.addi %mul3A_2, %mul3A_95 : i32
      %dma_wait3A_97 = arith.constant 0 : i32
      %dma_wait3A_98 = arith.constant 0 : i32
      %dma_wait3A_99 = tpu.memref_slice %arg2[%dma_wait3A_97, %dma_wait3A_98] : memref<10000x384xf32, #tpu.memory_space<hbm>> -> memref<10000x384xf32, #tpu.memory_space<hbm>>
      tpu.wait_indirect_dma semaphore(%arg20 : memref<!tpu.dma_semaphore, #tpu.memory_space<semaphore_mem>>) src(%dma_wait3A_99 : memref<10000x384xf32, #tpu.memory_space<hbm>>) dst(%arg12 : memref<80x384xf32, #tpu.memory_space<vmem>>)
      %dma_wait3A_100 = arith.constant 0 : i32
      %dma_wait3A_101 = arith.constant 0 : i32
      %dma_wait3A_102 = tpu.memref_slice %arg3[%dma_wait3A_100, %dma_wait3A_101] : memref<10000x256xf32, #tpu.memory_space<hbm>> -> memref<10000x256xf32, #tpu.memory_space<hbm>>
      tpu.wait_indirect_dma semaphore(%arg22 : memref<!tpu.dma_semaphore, #tpu.memory_space<semaphore_mem>>) src(%dma_wait3A_102 : memref<10000x256xf32, #tpu.memory_space<hbm>>) dst(%arg14 : memref<80x256xf32, #tpu.memory_space<vmem>>)
      %dma_start3A_103 = arith.constant 0 : i32
      %dma_start3A_104 = tpu.memref_slice %arg6[%add3A_96, %dma_start3A_103] : memref<320000x384xf32, #tpu.memory_space<hbm>> -> memref<80x384xf32, #tpu.memory_space<hbm>>
      %dma_start3A_105 = arith.constant 0 : i32
      %dma_start3A_106 = tpu.memref_slice %arg6[%add3A_96, %dma_start3A_105] : memref<320000x384xf32, #tpu.memory_space<hbm>> -> memref<80x384xf32, #tpu.memory_space<hbm>>
      tpu.enqueue_dma source(%arg12 : memref<80x384xf32, #tpu.memory_space<vmem>>) target(%dma_start3A_106 : memref<80x384xf32, #tpu.memory_space<hbm>>) target_semaphore(%arg20 : memref<!tpu.dma_semaphore, #tpu.memory_space<semaphore_mem>>)
      %dma_start3A_107 = arith.constant 0 : i32
      %dma_start3A_108 = tpu.memref_slice %arg7[%add3A_96, %dma_start3A_107] : memref<320000x256xf32, #tpu.memory_space<hbm>> -> memref<80x256xf32, #tpu.memory_space<hbm>>
      %dma_start3A_109 = arith.constant 0 : i32
      %dma_start3A_110 = tpu.memref_slice %arg7[%add3A_96, %dma_start3A_109] : memref<320000x256xf32, #tpu.memory_space<hbm>> -> memref<80x256xf32, #tpu.memory_space<hbm>>
      tpu.enqueue_dma source(%arg14 : memref<80x256xf32, #tpu.memory_space<vmem>>) target(%dma_start3A_110 : memref<80x256xf32, #tpu.memory_space<hbm>>) target_semaphore(%arg22 : memref<!tpu.dma_semaphore, #tpu.memory_space<semaphore_mem>>)
      %add3A_111 = arith.constant 1 : i32
      %add3A_112 = arith.addi %mul3A_53, %add3A_111 : i32
      %mul3A_113 = arith.constant 80 : i32
      %mul3A_114 = arith.muli %add3A_112, %mul3A_113 : i32
      %add3A_115 = arith.addi %mul3A_2, %mul3A_114 : i32
      %dma_wait3A_116 = arith.constant 0 : i32
      %dma_wait3A_117 = arith.constant 0 : i32
      %dma_wait3A_118 = tpu.memref_slice %arg2[%dma_wait3A_116, %dma_wait3A_117] : memref<10000x384xf32, #tpu.memory_space<hbm>> -> memref<10000x384xf32, #tpu.memory_space<hbm>>
      tpu.wait_indirect_dma semaphore(%arg21 : memref<!tpu.dma_semaphore, #tpu.memory_space<semaphore_mem>>) src(%dma_wait3A_118 : memref<10000x384xf32, #tpu.memory_space<hbm>>) dst(%arg13 : memref<80x384xf32, #tpu.memory_space<vmem>>)
      %dma_wait3A_119 = arith.constant 0 : i32
      %dma_wait3A_120 = arith.constant 0 : i32
      %dma_wait3A_121 = tpu.memref_slice %arg3[%dma_wait3A_119, %dma_wait3A_120] : memref<10000x256xf32, #tpu.memory_space<hbm>> -> memref<10000x256xf32, #tpu.memory_space<hbm>>
      tpu.wait_indirect_dma semaphore(%arg23 : memref<!tpu.dma_semaphore, #tpu.memory_space<semaphore_mem>>) src(%dma_wait3A_121 : memref<10000x256xf32, #tpu.memory_space<hbm>>) dst(%arg15 : memref<80x256xf32, #tpu.memory_space<vmem>>)
      %dma_start3A_122 = arith.constant 0 : i32
      %dma_start3A_123 = tpu.memref_slice %arg6[%add3A_115, %dma_start3A_122] : memref<320000x384xf32, #tpu.memory_space<hbm>> -> memref<80x384xf32, #tpu.memory_space<hbm>>
      %dma_start3A_124 = arith.constant 0 : i32
      %dma_start3A_125 = tpu.memref_slice %arg6[%add3A_115, %dma_start3A_124] : memref<320000x384xf32, #tpu.memory_space<hbm>> -> memref<80x384xf32, #tpu.memory_space<hbm>>
      tpu.enqueue_dma source(%arg13 : memref<80x384xf32, #tpu.memory_space<vmem>>) target(%dma_start3A_125 : memref<80x384xf32, #tpu.memory_space<hbm>>) target_semaphore(%arg21 : memref<!tpu.dma_semaphore, #tpu.memory_space<semaphore_mem>>)
      %dma_start3A_126 = arith.constant 0 : i32
      %dma_start3A_127 = tpu.memref_slice %arg7[%add3A_115, %dma_start3A_126] : memref<320000x256xf32, #tpu.memory_space<hbm>> -> memref<80x256xf32, #tpu.memory_space<hbm>>
      %dma_start3A_128 = arith.constant 0 : i32
      %dma_start3A_129 = tpu.memref_slice %arg7[%add3A_115, %dma_start3A_128] : memref<320000x256xf32, #tpu.memory_space<hbm>> -> memref<80x256xf32, #tpu.memory_space<hbm>>
      tpu.enqueue_dma source(%arg15 : memref<80x256xf32, #tpu.memory_space<vmem>>) target(%dma_start3A_129 : memref<80x256xf32, #tpu.memory_space<hbm>>) target_semaphore(%arg23 : memref<!tpu.dma_semaphore, #tpu.memory_space<semaphore_mem>>)
      %dma_wait3A_130 = arith.constant 0 : i32
      %dma_wait3A_131 = tpu.memref_slice %arg6[%add3A_96, %dma_wait3A_130] : memref<320000x384xf32, #tpu.memory_space<hbm>> -> memref<80x384xf32, #tpu.memory_space<hbm>>
      %dma_wait3A_132 = arith.constant 0 : i32
      %dma_wait3A_133 = tpu.memref_slice %arg6[%add3A_96, %dma_wait3A_132] : memref<320000x384xf32, #tpu.memory_space<hbm>> -> memref<80x384xf32, #tpu.memory_space<hbm>>
      tpu.wait_dma2 semaphore(%arg20 : memref<!tpu.dma_semaphore, #tpu.memory_space<semaphore_mem>>) src(%arg12 : memref<80x384xf32, #tpu.memory_space<vmem>>) dst(%dma_wait3A_133 : memref<80x384xf32, #tpu.memory_space<hbm>>)
      %dma_wait3A_134 = arith.constant 0 : i32
      %dma_wait3A_135 = tpu.memref_slice %arg7[%add3A_96, %dma_wait3A_134] : memref<320000x256xf32, #tpu.memory_space<hbm>> -> memref<80x256xf32, #tpu.memory_space<hbm>>
      %dma_wait3A_136 = arith.constant 0 : i32
      %dma_wait3A_137 = tpu.memref_slice %arg7[%add3A_96, %dma_wait3A_136] : memref<320000x256xf32, #tpu.memory_space<hbm>> -> memref<80x256xf32, #tpu.memory_space<hbm>>
      tpu.wait_dma2 semaphore(%arg22 : memref<!tpu.dma_semaphore, #tpu.memory_space<semaphore_mem>>) src(%arg14 : memref<80x256xf32, #tpu.memory_space<vmem>>) dst(%dma_wait3A_137 : memref<80x256xf32, #tpu.memory_space<hbm>>)
      %dma_wait3A_138 = arith.constant 0 : i32
      %dma_wait3A_139 = tpu.memref_slice %arg6[%add3A_115, %dma_wait3A_138] : memref<320000x384xf32, #tpu.memory_space<hbm>> -> memref<80x384xf32, #tpu.memory_space<hbm>>
      %dma_wait3A_140 = arith.constant 0 : i32
      %dma_wait3A_141 = tpu.memref_slice %arg6[%add3A_115, %dma_wait3A_140] : memref<320000x384xf32, #tpu.memory_space<hbm>> -> memref<80x384xf32, #tpu.memory_space<hbm>>
      tpu.wait_dma2 semaphore(%arg21 : memref<!tpu.dma_semaphore, #tpu.memory_space<semaphore_mem>>) src(%arg13 : memref<80x384xf32, #tpu.memory_space<vmem>>) dst(%dma_wait3A_141 : memref<80x384xf32, #tpu.memory_space<hbm>>)
      %dma_wait3A_142 = arith.constant 0 : i32
      %dma_wait3A_143 = tpu.memref_slice %arg7[%add3A_115, %dma_wait3A_142] : memref<320000x256xf32, #tpu.memory_space<hbm>> -> memref<80x256xf32, #tpu.memory_space<hbm>>
      %dma_wait3A_144 = arith.constant 0 : i32
      %dma_wait3A_145 = tpu.memref_slice %arg7[%add3A_115, %dma_wait3A_144] : memref<320000x256xf32, #tpu.memory_space<hbm>> -> memref<80x256xf32, #tpu.memory_space<hbm>>
      tpu.wait_dma2 semaphore(%arg23 : memref<!tpu.dma_semaphore, #tpu.memory_space<semaphore_mem>>) src(%arg15 : memref<80x256xf32, #tpu.memory_space<vmem>>) dst(%dma_wait3A_145 : memref<80x256xf32, #tpu.memory_space<hbm>>)
    }
    %scan3A_7 = arith.constant 62 : i32
    %scan3A_8 = arith.constant 0 : i32
    %scan3A_9 = arith.constant 124 : i32
    %mul3A_10 = arith.constant 80 : i32
    %mul3A_11 = arith.muli %scan3A_9, %mul3A_10 : i32
    %add3A_12 = arith.addi %mul3A_2, %mul3A_11 : i32
    %dma_start3A = tpu.memref_slice %arg4[%add3A_12] : memref<320000xi32, #tpu.memory_space<hbm>> -> memref<80xi32, #tpu.memory_space<hbm>>
    %dma_start3A_13 = tpu.memref_slice %arg4[%add3A_12] : memref<320000xi32, #tpu.memory_space<hbm>> -> memref<80xi32, #tpu.memory_space<hbm>>
    tpu.enqueue_dma source(%dma_start3A_13 : memref<80xi32, #tpu.memory_space<hbm>>) target(%arg8 : memref<80xi32, #tpu.memory_space<vmem>>) target_semaphore(%arg16 : memref<!tpu.dma_semaphore, #tpu.memory_space<semaphore_mem>>)
    %dma_wait3A = tpu.memref_slice %arg4[%add3A_12] : memref<320000xi32, #tpu.memory_space<hbm>> -> memref<80xi32, #tpu.memory_space<hbm>>
    %dma_wait3A_14 = tpu.memref_slice %arg4[%add3A_12] : memref<320000xi32, #tpu.memory_space<hbm>> -> memref<80xi32, #tpu.memory_space<hbm>>
    tpu.wait_dma2 semaphore(%arg16 : memref<!tpu.dma_semaphore, #tpu.memory_space<semaphore_mem>>) src(%dma_wait3A_14 : memref<80xi32, #tpu.memory_space<hbm>>) dst(%arg8 : memref<80xi32, #tpu.memory_space<vmem>>)
    %dma_start3A_15 = tpu.memref_slice %arg5[%add3A_12] : memref<320000xi32, #tpu.memory_space<hbm>> -> memref<80xi32, #tpu.memory_space<hbm>>
    %dma_start3A_16 = tpu.memref_slice %arg5[%add3A_12] : memref<320000xi32, #tpu.memory_space<hbm>> -> memref<80xi32, #tpu.memory_space<hbm>>
    tpu.enqueue_dma source(%dma_start3A_16 : memref<80xi32, #tpu.memory_space<hbm>>) target(%arg10 : memref<80xi32, #tpu.memory_space<vmem>>) target_semaphore(%arg18 : memref<!tpu.dma_semaphore, #tpu.memory_space<semaphore_mem>>)
    %dma_wait3A_17 = tpu.memref_slice %arg5[%add3A_12] : memref<320000xi32, #tpu.memory_space<hbm>> -> memref<80xi32, #tpu.memory_space<hbm>>
    %dma_wait3A_18 = tpu.memref_slice %arg5[%add3A_12] : memref<320000xi32, #tpu.memory_space<hbm>> -> memref<80xi32, #tpu.memory_space<hbm>>
    tpu.wait_dma2 semaphore(%arg18 : memref<!tpu.dma_semaphore, #tpu.memory_space<semaphore_mem>>) src(%dma_wait3A_18 : memref<80xi32, #tpu.memory_space<hbm>>) dst(%arg10 : memref<80xi32, #tpu.memory_space<vmem>>)
    %dma_start3A_19 = arith.constant 0 : i32
    %dma_start3A_20 = arith.constant 0 : i32
    %dma_start3A_21 = tpu.memref_slice %arg2[%dma_start3A_19, %dma_start3A_20] : memref<10000x384xf32, #tpu.memory_space<hbm>> -> memref<10000x384xf32, #tpu.memory_space<hbm>>
    tpu.enqueue_indirect_dma source(%dma_start3A_21 : memref<10000x384xf32, #tpu.memory_space<hbm>>) target(%arg12 : memref<80x384xf32, #tpu.memory_space<vmem>>) offsets(%arg10 : memref<80xi32, #tpu.memory_space<vmem>>) semaphore(%arg20 : memref<!tpu.dma_semaphore, #tpu.memory_space<semaphore_mem>>)
    %dma_start3A_22 = arith.constant 0 : i32
    %dma_start3A_23 = arith.constant 0 : i32
    %dma_start3A_24 = tpu.memref_slice %arg3[%dma_start3A_22, %dma_start3A_23] : memref<10000x256xf32, #tpu.memory_space<hbm>> -> memref<10000x256xf32, #tpu.memory_space<hbm>>
    tpu.enqueue_indirect_dma source(%dma_start3A_24 : memref<10000x256xf32, #tpu.memory_space<hbm>>) target(%arg14 : memref<80x256xf32, #tpu.memory_space<vmem>>) offsets(%arg8 : memref<80xi32, #tpu.memory_space<vmem>>) semaphore(%arg22 : memref<!tpu.dma_semaphore, #tpu.memory_space<semaphore_mem>>)
    %dma_wait3A_25 = arith.constant 0 : i32
    %dma_wait3A_26 = arith.constant 0 : i32
    %dma_wait3A_27 = tpu.memref_slice %arg2[%dma_wait3A_25, %dma_wait3A_26] : memref<10000x384xf32, #tpu.memory_space<hbm>> -> memref<10000x384xf32, #tpu.memory_space<hbm>>
    tpu.wait_indirect_dma semaphore(%arg20 : memref<!tpu.dma_semaphore, #tpu.memory_space<semaphore_mem>>) src(%dma_wait3A_27 : memref<10000x384xf32, #tpu.memory_space<hbm>>) dst(%arg12 : memref<80x384xf32, #tpu.memory_space<vmem>>)
    %dma_wait3A_28 = arith.constant 0 : i32
    %dma_wait3A_29 = arith.constant 0 : i32
    %dma_wait3A_30 = tpu.memref_slice %arg3[%dma_wait3A_28, %dma_wait3A_29] : memref<10000x256xf32, #tpu.memory_space<hbm>> -> memref<10000x256xf32, #tpu.memory_space<hbm>>
    tpu.wait_indirect_dma semaphore(%arg22 : memref<!tpu.dma_semaphore, #tpu.memory_space<semaphore_mem>>) src(%dma_wait3A_30 : memref<10000x256xf32, #tpu.memory_space<hbm>>) dst(%arg14 : memref<80x256xf32, #tpu.memory_space<vmem>>)
    %mul3A_31 = arith.constant 80 : i32
    %mul3A_32 = arith.muli %scan3A_9, %mul3A_31 : i32
    %add3A_33 = arith.addi %mul3A_2, %mul3A_32 : i32
    %dma_start3A_34 = arith.constant 0 : i32
    %dma_start3A_35 = tpu.memref_slice %arg6[%add3A_33, %dma_start3A_34] : memref<320000x384xf32, #tpu.memory_space<hbm>> -> memref<80x384xf32, #tpu.memory_space<hbm>>
    %dma_start3A_36 = arith.constant 0 : i32
    %dma_start3A_37 = tpu.memref_slice %arg6[%add3A_33, %dma_start3A_36] : memref<320000x384xf32, #tpu.memory_space<hbm>> -> memref<80x384xf32, #tpu.memory_space<hbm>>
    tpu.enqueue_dma source(%arg12 : memref<80x384xf32, #tpu.memory_space<vmem>>) target(%dma_start3A_37 : memref<80x384xf32, #tpu.memory_space<hbm>>) target_semaphore(%arg20 : memref<!tpu.dma_semaphore, #tpu.memory_space<semaphore_mem>>)
    %dma_start3A_38 = arith.constant 0 : i32
    %dma_start3A_39 = tpu.memref_slice %arg7[%add3A_33, %dma_start3A_38] : memref<320000x256xf32, #tpu.memory_space<hbm>> -> memref<80x256xf32, #tpu.memory_space<hbm>>
    %dma_start3A_40 = arith.constant 0 : i32
    %dma_start3A_41 = tpu.memref_slice %arg7[%add3A_33, %dma_start3A_40] : memref<320000x256xf32, #tpu.memory_space<hbm>> -> memref<80x256xf32, #tpu.memory_space<hbm>>
    tpu.enqueue_dma source(%arg14 : memref<80x256xf32, #tpu.memory_space<vmem>>) target(%dma_start3A_41 : memref<80x256xf32, #tpu.memory_space<hbm>>) target_semaphore(%arg22 : memref<!tpu.dma_semaphore, #tpu.memory_space<semaphore_mem>>)
    %dma_wait3A_42 = arith.constant 0 : i32
    %dma_wait3A_43 = tpu.memref_slice %arg6[%add3A_33, %dma_wait3A_42] : memref<320000x384xf32, #tpu.memory_space<hbm>> -> memref<80x384xf32, #tpu.memory_space<hbm>>
    %dma_wait3A_44 = arith.constant 0 : i32
    %dma_wait3A_45 = tpu.memref_slice %arg6[%add3A_33, %dma_wait3A_44] : memref<320000x384xf32, #tpu.memory_space<hbm>> -> memref<80x384xf32, #tpu.memory_space<hbm>>
    tpu.wait_dma2 semaphore(%arg20 : memref<!tpu.dma_semaphore, #tpu.memory_space<semaphore_mem>>) src(%arg12 : memref<80x384xf32, #tpu.memory_space<vmem>>) dst(%dma_wait3A_45 : memref<80x384xf32, #tpu.memory_space<hbm>>)
    %dma_wait3A_46 = arith.constant 0 : i32
    %dma_wait3A_47 = tpu.memref_slice %arg7[%add3A_33, %dma_wait3A_46] : memref<320000x256xf32, #tpu.memory_space<hbm>> -> memref<80x256xf32, #tpu.memory_space<hbm>>
    %dma_wait3A_48 = arith.constant 0 : i32
    %dma_wait3A_49 = tpu.memref_slice %arg7[%add3A_33, %dma_wait3A_48] : memref<320000x256xf32, #tpu.memory_space<hbm>> -> memref<80x256xf32, #tpu.memory_space<hbm>>
    tpu.wait_dma2 semaphore(%arg22 : memref<!tpu.dma_semaphore, #tpu.memory_space<semaphore_mem>>) src(%arg14 : memref<80x256xf32, #tpu.memory_space<vmem>>) dst(%dma_wait3A_49 : memref<80x256xf32, #tpu.memory_space<hbm>>)
    %scan3A_50 = arith.constant 1 : i32
    return
  }
}

#map = affine_map<(d0, d1) -> (0, 0)>
#map1 = affine_map<(d0, d1) -> (0)>
#map2 = affine_map<(d0, d1) -> (0, 0, 0)>
module attributes {stable_mosaic.version = 14 : i64} {
  func.func @scatter(%arg0: i32, %arg1: i32, %arg2: memref<320000x128xf32, #tpu.memory_space<hbm>>, %arg3: memref<320000xf32, #tpu.memory_space<hbm>>, %arg4: memref<320000xi32, #tpu.memory_space<hbm>>, %arg5: memref<10000x128xf32, #tpu.memory_space<hbm>>, %arg6: memref<2x10000x128xf32, #tpu.memory_space<hbm>>, %arg7: memref<32x10000xf32, #tpu.memory_space<hbm>>, %arg8: memref<80xi32, #tpu.memory_space<vmem>>, %arg9: memref<80xi32, #tpu.memory_space<vmem>>, %arg10: memref<80xf32, #tpu.memory_space<vmem>>, %arg11: memref<80xf32, #tpu.memory_space<vmem>>, %arg12: memref<80x128xf32, #tpu.memory_space<vmem>>, %arg13: memref<80x128xf32, #tpu.memory_space<vmem>>, %arg14: memref<10000xf32, #tpu.memory_space<vmem>>, %arg15: memref<10000x128xf32, #tpu.memory_space<vmem_shared>>, %arg16: memref<!tpu.dma_semaphore, #tpu.memory_space<semaphore_mem>>, %arg17: memref<!tpu.dma_semaphore, #tpu.memory_space<semaphore_mem>>, %arg18: memref<!tpu.dma_semaphore, #tpu.memory_space<semaphore_mem>>, %arg19: memref<!tpu.dma_semaphore, #tpu.memory_space<semaphore_mem>>, %arg20: memref<!tpu.dma_semaphore, #tpu.memory_space<semaphore_mem>>, %arg21: memref<!tpu.dma_semaphore, #tpu.memory_space<semaphore_mem>>) attributes {dimension_semantics = [#tpu.dimension_semantics<core_parallel>, #tpu.dimension_semantics<subcore_parallel>], iteration_bounds = array<i64: 2, 16>, scalar_prefetch = 0 : i64, scratch_operands = 14 : i64, tpu.core_type = #tpu.core_type<sc_vector_subcore>, window_params = [{transform_indices = #map}, {transform_indices = #map1}, {transform_indices = #map1}, {transform_indices = #map}, {transform_indices = #map2}, {transform_indices = #map}]} {
    %mul3A = arith.constant 2 : i32
    %mul3A_0 = arith.muli %arg1, %mul3A : i32
    %add3A = arith.addi %mul3A_0, %arg0 : i32
    %mul3A_1 = arith.constant 624 : i32
    %mul3A_2 = arith.muli %arg1, %mul3A_1 : i32
    %mul3A_3 = arith.constant 624 : i32
    %mul3A_4 = arith.muli %arg1, %mul3A_3 : i32
    "tpu.region"() ({
      %run_scoped3A = tpu.sem_alloc : memref<!tpu.dma_semaphore, #tpu.memory_space<semaphore_mem>>
      %dma_start3A_56 = arith.constant 0 : i32
      %dma_start3A_57 = tpu.memref_slice %arg15[%mul3A_4, %dma_start3A_56] : memref<10000x128xf32, #tpu.memory_space<vmem_shared>> -> memref<624x128xf32, #tpu.memory_space<vmem_shared>>
      %dma_start3A_58 = arith.constant 0 : i32
      %dma_start3A_59 = tpu.memref_slice %arg5[%mul3A_2, %dma_start3A_58] : memref<10000x128xf32, #tpu.memory_space<hbm>> -> memref<624x128xf32, #tpu.memory_space<hbm>>
      tpu.enqueue_dma source(%dma_start3A_59 : memref<624x128xf32, #tpu.memory_space<hbm>>) target(%dma_start3A_57 : memref<624x128xf32, #tpu.memory_space<vmem_shared>>) target_semaphore(%run_scoped3A : memref<!tpu.dma_semaphore, #tpu.memory_space<semaphore_mem>>)
      %dma_wait3A_60 = arith.constant 0 : i32
      %dma_wait3A_61 = tpu.memref_slice %arg15[%mul3A_4, %dma_wait3A_60] : memref<10000x128xf32, #tpu.memory_space<vmem_shared>> -> memref<624x128xf32, #tpu.memory_space<vmem_shared>>
      %dma_wait3A_62 = arith.constant 0 : i32
      %dma_wait3A_63 = tpu.memref_slice %arg5[%mul3A_2, %dma_wait3A_62] : memref<10000x128xf32, #tpu.memory_space<hbm>> -> memref<624x128xf32, #tpu.memory_space<hbm>>
      tpu.wait_dma2 semaphore(%run_scoped3A : memref<!tpu.dma_semaphore, #tpu.memory_space<semaphore_mem>>) src(%dma_wait3A_63 : memref<624x128xf32, #tpu.memory_space<hbm>>) dst(%dma_wait3A_61 : memref<624x128xf32, #tpu.memory_space<vmem_shared>>)
      tpu.yield
    }) : () -> ()
    %eq3A = arith.constant 0 : i32
    %eq3A_5 = arith.cmpi eq, %arg1, %eq3A : i32
    %convert_element_type3A = arith.extui %eq3A_5 : i1 to i32
    %cond3A = arith.constant 0 : i32
    %cond3A_6 = arith.cmpi ne, %convert_element_type3A, %cond3A : i32
    scf.if %cond3A_6 {
      "tpu.region"() ({
        %run_scoped3A = tpu.sem_alloc : memref<!tpu.dma_semaphore, #tpu.memory_space<semaphore_mem>>
        %dma_start3A_56 = arith.constant 9984 : i32
        %dma_start3A_57 = arith.constant 0 : i32
        %dma_start3A_58 = tpu.memref_slice %arg15[%dma_start3A_56, %dma_start3A_57] : memref<10000x128xf32, #tpu.memory_space<vmem_shared>> -> memref<16x128xf32, #tpu.memory_space<vmem_shared>>
        %dma_start3A_59 = arith.constant 9984 : i32
        %dma_start3A_60 = arith.constant 0 : i32
        %dma_start3A_61 = tpu.memref_slice %arg5[%dma_start3A_59, %dma_start3A_60] : memref<10000x128xf32, #tpu.memory_space<hbm>> -> memref<16x128xf32, #tpu.memory_space<hbm>>
        tpu.enqueue_dma source(%dma_start3A_61 : memref<16x128xf32, #tpu.memory_space<hbm>>) target(%dma_start3A_58 : memref<16x128xf32, #tpu.memory_space<vmem_shared>>) target_semaphore(%run_scoped3A : memref<!tpu.dma_semaphore, #tpu.memory_space<semaphore_mem>>)
        %dma_wait3A_62 = arith.constant 9984 : i32
        %dma_wait3A_63 = arith.constant 0 : i32
        %dma_wait3A_64 = tpu.memref_slice %arg15[%dma_wait3A_62, %dma_wait3A_63] : memref<10000x128xf32, #tpu.memory_space<vmem_shared>> -> memref<16x128xf32, #tpu.memory_space<vmem_shared>>
        %dma_wait3A_65 = arith.constant 9984 : i32
        %dma_wait3A_66 = arith.constant 0 : i32
        %dma_wait3A_67 = tpu.memref_slice %arg5[%dma_wait3A_65, %dma_wait3A_66] : memref<10000x128xf32, #tpu.memory_space<hbm>> -> memref<16x128xf32, #tpu.memory_space<hbm>>
        tpu.wait_dma2 semaphore(%run_scoped3A : memref<!tpu.dma_semaphore, #tpu.memory_space<semaphore_mem>>) src(%dma_wait3A_67 : memref<16x128xf32, #tpu.memory_space<hbm>>) dst(%dma_wait3A_64 : memref<16x128xf32, #tpu.memory_space<vmem_shared>>)
        tpu.yield
      }) : () -> ()
    } else {
    }
    %scan3A = arith.constant 0 : i32
    %scan3A_7 = arith.constant 0 : i32
    %scan3A_8 = arith.constant 625 : i32
    %scan3A_9 = arith.addi %scan3A_7, %scan3A_8 : i32
    %scan3A_10 = arith.constant 1 : i32
    scf.for %scan3A_56 = %scan3A_7 to %scan3A_9 step %scan3A_10  : i32 {
      %broadcast_in_dim3A = arith.constant 0.000000e+00 : f32
      %broadcast_in_dim3A_57 = vector.broadcast %broadcast_in_dim3A : f32 to vector<16xf32>
      %mul3A_58 = arith.constant 16 : i32
      %mul3A_59 = arith.muli %scan3A_56, %mul3A_58 : i32
      %swap3A = arith.index_cast %mul3A_59 : i32 to index
      %swap3A_60 = tpu.vector_load %arg14[%swap3A] {strides = array<i32>} : memref<10000xf32, #tpu.memory_space<vmem>>, vector<16xf32>,
      tpu.vector_store %arg14[%swap3A], %broadcast_in_dim3A_57 {strides = array<i32>} : memref<10000xf32, #tpu.memory_space<vmem>>, vector<16xf32>,
    }
    %scan3A_11 = arith.constant 625 : i32
    %barrier3A = arith.constant 0 : index
    tpu.barrier barrier_id(%barrier3A)
    %mul3A_12 = arith.constant 10000 : i32
    %mul3A_13 = arith.muli %add3A, %mul3A_12 : i32
    %scan3A_14 = arith.constant 0 : i32
    %scan3A_15 = arith.constant 0 : i32
    %scan3A_16 = arith.constant 62 : i32
    %scan3A_17 = arith.addi %scan3A_15, %scan3A_16 : i32
    %scan3A_18 = arith.constant 1 : i32
    scf.for %scan3A_56 = %scan3A_15 to %scan3A_17 step %scan3A_18  : i32 {
      %mul3A_57 = arith.constant 2 : i32
      %mul3A_58 = arith.muli %scan3A_56, %mul3A_57 : i32
      %add3A_59 = arith.constant 0 : i32
      %add3A_60 = arith.addi %mul3A_58, %add3A_59 : i32
      %mul3A_61 = arith.constant 80 : i32
      %mul3A_62 = arith.muli %add3A_60, %mul3A_61 : i32
      %add3A_63 = arith.addi %mul3A_13, %mul3A_62 : i32
      %dma_start3A_64 = tpu.memref_slice %arg4[%add3A_63] : memref<320000xi32, #tpu.memory_space<hbm>> -> memref<80xi32, #tpu.memory_space<hbm>>
      %dma_start3A_65 = tpu.memref_slice %arg4[%add3A_63] : memref<320000xi32, #tpu.memory_space<hbm>> -> memref<80xi32, #tpu.memory_space<hbm>>
      tpu.enqueue_dma source(%dma_start3A_65 : memref<80xi32, #tpu.memory_space<hbm>>) target(%arg8 : memref<80xi32, #tpu.memory_space<vmem>>) target_semaphore(%arg16 : memref<!tpu.dma_semaphore, #tpu.memory_space<semaphore_mem>>)
      %dma_start3A_66 = tpu.memref_slice %arg3[%add3A_63] : memref<320000xf32, #tpu.memory_space<hbm>> -> memref<80xf32, #tpu.memory_space<hbm>>
      %dma_start3A_67 = tpu.memref_slice %arg3[%add3A_63] : memref<320000xf32, #tpu.memory_space<hbm>> -> memref<80xf32, #tpu.memory_space<hbm>>
      tpu.enqueue_dma source(%dma_start3A_67 : memref<80xf32, #tpu.memory_space<hbm>>) target(%arg10 : memref<80xf32, #tpu.memory_space<vmem>>) target_semaphore(%arg18 : memref<!tpu.dma_semaphore, #tpu.memory_space<semaphore_mem>>)
      %dma_start3A_68 = arith.constant 0 : i32
      %dma_start3A_69 = tpu.memref_slice %arg2[%add3A_63, %dma_start3A_68] : memref<320000x128xf32, #tpu.memory_space<hbm>> -> memref<80x128xf32, #tpu.memory_space<hbm>>
      %dma_start3A_70 = arith.constant 0 : i32
      %dma_start3A_71 = tpu.memref_slice %arg2[%add3A_63, %dma_start3A_70] : memref<320000x128xf32, #tpu.memory_space<hbm>> -> memref<80x128xf32, #tpu.memory_space<hbm>>
      tpu.enqueue_dma source(%dma_start3A_71 : memref<80x128xf32, #tpu.memory_space<hbm>>) target(%arg12 : memref<80x128xf32, #tpu.memory_space<vmem>>) target_semaphore(%arg20 : memref<!tpu.dma_semaphore, #tpu.memory_space<semaphore_mem>>)
      %add3A_72 = arith.constant 1 : i32
      %add3A_73 = arith.addi %mul3A_58, %add3A_72 : i32
      %mul3A_74 = arith.constant 80 : i32
      %mul3A_75 = arith.muli %add3A_73, %mul3A_74 : i32
      %add3A_76 = arith.addi %mul3A_13, %mul3A_75 : i32
      %dma_start3A_77 = tpu.memref_slice %arg4[%add3A_76] : memref<320000xi32, #tpu.memory_space<hbm>> -> memref<80xi32, #tpu.memory_space<hbm>>
      %dma_start3A_78 = tpu.memref_slice %arg4[%add3A_76] : memref<320000xi32, #tpu.memory_space<hbm>> -> memref<80xi32, #tpu.memory_space<hbm>>
      tpu.enqueue_dma source(%dma_start3A_78 : memref<80xi32, #tpu.memory_space<hbm>>) target(%arg9 : memref<80xi32, #tpu.memory_space<vmem>>) target_semaphore(%arg17 : memref<!tpu.dma_semaphore, #tpu.memory_space<semaphore_mem>>)
      %dma_start3A_79 = tpu.memref_slice %arg3[%add3A_76] : memref<320000xf32, #tpu.memory_space<hbm>> -> memref<80xf32, #tpu.memory_space<hbm>>
      %dma_start3A_80 = tpu.memref_slice %arg3[%add3A_76] : memref<320000xf32, #tpu.memory_space<hbm>> -> memref<80xf32, #tpu.memory_space<hbm>>
      tpu.enqueue_dma source(%dma_start3A_80 : memref<80xf32, #tpu.memory_space<hbm>>) target(%arg11 : memref<80xf32, #tpu.memory_space<vmem>>) target_semaphore(%arg19 : memref<!tpu.dma_semaphore, #tpu.memory_space<semaphore_mem>>)
      %dma_start3A_81 = arith.constant 0 : i32
      %dma_start3A_82 = tpu.memref_slice %arg2[%add3A_76, %dma_start3A_81] : memref<320000x128xf32, #tpu.memory_space<hbm>> -> memref<80x128xf32, #tpu.memory_space<hbm>>
      %dma_start3A_83 = arith.constant 0 : i32
      %dma_start3A_84 = tpu.memref_slice %arg2[%add3A_76, %dma_start3A_83] : memref<320000x128xf32, #tpu.memory_space<hbm>> -> memref<80x128xf32, #tpu.memory_space<hbm>>
      tpu.enqueue_dma source(%dma_start3A_84 : memref<80x128xf32, #tpu.memory_space<hbm>>) target(%arg13 : memref<80x128xf32, #tpu.memory_space<vmem>>) target_semaphore(%arg21 : memref<!tpu.dma_semaphore, #tpu.memory_space<semaphore_mem>>)
      %dma_wait3A_85 = tpu.memref_slice %arg4[%add3A_63] : memref<320000xi32, #tpu.memory_space<hbm>> -> memref<80xi32, #tpu.memory_space<hbm>>
      %dma_wait3A_86 = tpu.memref_slice %arg4[%add3A_63] : memref<320000xi32, #tpu.memory_space<hbm>> -> memref<80xi32, #tpu.memory_space<hbm>>
      tpu.wait_dma2 semaphore(%arg16 : memref<!tpu.dma_semaphore, #tpu.memory_space<semaphore_mem>>) src(%dma_wait3A_86 : memref<80xi32, #tpu.memory_space<hbm>>) dst(%arg8 : memref<80xi32, #tpu.memory_space<vmem>>)
      %dma_wait3A_87 = tpu.memref_slice %arg3[%add3A_63] : memref<320000xf32, #tpu.memory_space<hbm>> -> memref<80xf32, #tpu.memory_space<hbm>>
      %dma_wait3A_88 = tpu.memref_slice %arg3[%add3A_63] : memref<320000xf32, #tpu.memory_space<hbm>> -> memref<80xf32, #tpu.memory_space<hbm>>
      tpu.wait_dma2 semaphore(%arg18 : memref<!tpu.dma_semaphore, #tpu.memory_space<semaphore_mem>>) src(%dma_wait3A_88 : memref<80xf32, #tpu.memory_space<hbm>>) dst(%arg10 : memref<80xf32, #tpu.memory_space<vmem>>)
      %dma_wait3A_89 = arith.constant 0 : i32
      %dma_wait3A_90 = tpu.memref_slice %arg2[%add3A_63, %dma_wait3A_89] : memref<320000x128xf32, #tpu.memory_space<hbm>> -> memref<80x128xf32, #tpu.memory_space<hbm>>
      %dma_wait3A_91 = arith.constant 0 : i32
      %dma_wait3A_92 = tpu.memref_slice %arg2[%add3A_63, %dma_wait3A_91] : memref<320000x128xf32, #tpu.memory_space<hbm>> -> memref<80x128xf32, #tpu.memory_space<hbm>>
      tpu.wait_dma2 semaphore(%arg20 : memref<!tpu.dma_semaphore, #tpu.memory_space<semaphore_mem>>) src(%dma_wait3A_92 : memref<80x128xf32, #tpu.memory_space<hbm>>) dst(%arg12 : memref<80x128xf32, #tpu.memory_space<vmem>>)
      "tpu.region"() ({
        %run_scoped3A = tpu.sem_alloc : memref<!tpu.dma_semaphore, #tpu.memory_space<semaphore_mem>>
        %dma_start3A_113 = arith.constant 0 : i32
        %dma_start3A_114 = arith.constant 0 : i32
        %dma_start3A_115 = tpu.memref_slice %arg15[%dma_start3A_113, %dma_start3A_114] : memref<10000x128xf32, #tpu.memory_space<vmem_shared>> -> memref<10000x128xf32, #tpu.memory_space<vmem_shared>>
        tpu.enqueue_indirect_dma source(%arg12 : memref<80x128xf32, #tpu.memory_space<vmem>>) target(%dma_start3A_115 : memref<10000x128xf32, #tpu.memory_space<vmem_shared>>) offsets(%arg8 : memref<80xi32, #tpu.memory_space<vmem>>) semaphore(%run_scoped3A : memref<!tpu.dma_semaphore, #tpu.memory_space<semaphore_mem>>) {add = true}
        %dma_wait3A_116 = arith.constant 0 : i32
        %dma_wait3A_117 = arith.constant 0 : i32
        %dma_wait3A_118 = tpu.memref_slice %arg15[%dma_wait3A_116, %dma_wait3A_117] : memref<10000x128xf32, #tpu.memory_space<vmem_shared>> -> memref<10000x128xf32, #tpu.memory_space<vmem_shared>>
        tpu.wait_indirect_dma semaphore(%run_scoped3A : memref<!tpu.dma_semaphore, #tpu.memory_space<semaphore_mem>>) src(%arg12 : memref<80x128xf32, #tpu.memory_space<vmem>>) dst(%dma_wait3A_118 : memref<10000x128xf32, #tpu.memory_space<vmem_shared>>)
        tpu.yield
      }) : () -> ()
      %scan3A_93 = arith.constant 0 : i32
      %scan3A_94 = arith.constant 0 : i32
      %scan3A_95 = arith.constant 5 : i32
      %scan3A_96 = arith.addi %scan3A_94, %scan3A_95 : i32
      %scan3A_97 = arith.constant 1 : i32
      scf.for %scan3A_113 = %scan3A_94 to %scan3A_96 step %scan3A_97  : i32 {
        %mul3A_114 = arith.constant 16 : i32
        %mul3A_115 = arith.muli %scan3A_113, %mul3A_114 : i32
        %get3A = arith.index_cast %mul3A_115 : i32 to index
        %get3A_116 = tpu.vector_load %arg8[%get3A] {strides = array<i32>} : memref<80xi32, #tpu.memory_space<vmem>>, vector<16xi32>,
        %mul3A_117 = arith.constant 16 : i32
        %mul3A_118 = arith.muli %scan3A_113, %mul3A_117 : i32
        %get3A_119 = arith.index_cast %mul3A_118 : i32 to index
        %get3A_120 = tpu.vector_load %arg10[%get3A_119] {strides = array<i32>} : memref<80xf32, #tpu.memory_space<vmem>>, vector<16xf32>,
        tpu.vector_store_idx %arg14[%get3A_116], %get3A_120 {add = true} : memref<10000xf32, #tpu.memory_space<vmem>>[vector<16xi32>], vector<16xf32>,
      }
      %scan3A_98 = arith.constant 5 : i32
      %dma_wait3A_99 = tpu.memref_slice %arg4[%add3A_76] : memref<320000xi32, #tpu.memory_space<hbm>> -> memref<80xi32, #tpu.memory_space<hbm>>
      %dma_wait3A_100 = tpu.memref_slice %arg4[%add3A_76] : memref<320000xi32, #tpu.memory_space<hbm>> -> memref<80xi32, #tpu.memory_space<hbm>>
      tpu.wait_dma2 semaphore(%arg17 : memref<!tpu.dma_semaphore, #tpu.memory_space<semaphore_mem>>) src(%dma_wait3A_100 : memref<80xi32, #tpu.memory_space<hbm>>) dst(%arg9 : memref<80xi32, #tpu.memory_space<vmem>>)
      %dma_wait3A_101 = tpu.memref_slice %arg3[%add3A_76] : memref<320000xf32, #tpu.memory_space<hbm>> -> memref<80xf32, #tpu.memory_space<hbm>>
      %dma_wait3A_102 = tpu.memref_slice %arg3[%add3A_76] : memref<320000xf32, #tpu.memory_space<hbm>> -> memref<80xf32, #tpu.memory_space<hbm>>
      tpu.wait_dma2 semaphore(%arg19 : memref<!tpu.dma_semaphore, #tpu.memory_space<semaphore_mem>>) src(%dma_wait3A_102 : memref<80xf32, #tpu.memory_space<hbm>>) dst(%arg11 : memref<80xf32, #tpu.memory_space<vmem>>)
      %dma_wait3A_103 = arith.constant 0 : i32
      %dma_wait3A_104 = tpu.memref_slice %arg2[%add3A_76, %dma_wait3A_103] : memref<320000x128xf32, #tpu.memory_space<hbm>> -> memref<80x128xf32, #tpu.memory_space<hbm>>
      %dma_wait3A_105 = arith.constant 0 : i32
      %dma_wait3A_106 = tpu.memref_slice %arg2[%add3A_76, %dma_wait3A_105] : memref<320000x128xf32, #tpu.memory_space<hbm>> -> memref<80x128xf32, #tpu.memory_space<hbm>>
      tpu.wait_dma2 semaphore(%arg21 : memref<!tpu.dma_semaphore, #tpu.memory_space<semaphore_mem>>) src(%dma_wait3A_106 : memref<80x128xf32, #tpu.memory_space<hbm>>) dst(%arg13 : memref<80x128xf32, #tpu.memory_space<vmem>>)
      "tpu.region"() ({
        %run_scoped3A = tpu.sem_alloc : memref<!tpu.dma_semaphore, #tpu.memory_space<semaphore_mem>>
        %dma_start3A_113 = arith.constant 0 : i32
        %dma_start3A_114 = arith.constant 0 : i32
        %dma_start3A_115 = tpu.memref_slice %arg15[%dma_start3A_113, %dma_start3A_114] : memref<10000x128xf32, #tpu.memory_space<vmem_shared>> -> memref<10000x128xf32, #tpu.memory_space<vmem_shared>>
        tpu.enqueue_indirect_dma source(%arg13 : memref<80x128xf32, #tpu.memory_space<vmem>>) target(%dma_start3A_115 : memref<10000x128xf32, #tpu.memory_space<vmem_shared>>) offsets(%arg9 : memref<80xi32, #tpu.memory_space<vmem>>) semaphore(%run_scoped3A : memref<!tpu.dma_semaphore, #tpu.memory_space<semaphore_mem>>) {add = true}
        %dma_wait3A_116 = arith.constant 0 : i32
        %dma_wait3A_117 = arith.constant 0 : i32
        %dma_wait3A_118 = tpu.memref_slice %arg15[%dma_wait3A_116, %dma_wait3A_117] : memref<10000x128xf32, #tpu.memory_space<vmem_shared>> -> memref<10000x128xf32, #tpu.memory_space<vmem_shared>>
        tpu.wait_indirect_dma semaphore(%run_scoped3A : memref<!tpu.dma_semaphore, #tpu.memory_space<semaphore_mem>>) src(%arg13 : memref<80x128xf32, #tpu.memory_space<vmem>>) dst(%dma_wait3A_118 : memref<10000x128xf32, #tpu.memory_space<vmem_shared>>)
        tpu.yield
      }) : () -> ()
      %scan3A_107 = arith.constant 0 : i32
      %scan3A_108 = arith.constant 0 : i32
      %scan3A_109 = arith.constant 5 : i32
      %scan3A_110 = arith.addi %scan3A_108, %scan3A_109 : i32
      %scan3A_111 = arith.constant 1 : i32
      scf.for %scan3A_113 = %scan3A_108 to %scan3A_110 step %scan3A_111  : i32 {
        %mul3A_114 = arith.constant 16 : i32
        %mul3A_115 = arith.muli %scan3A_113, %mul3A_114 : i32
        %get3A = arith.index_cast %mul3A_115 : i32 to index
        %get3A_116 = tpu.vector_load %arg9[%get3A] {strides = array<i32>} : memref<80xi32, #tpu.memory_space<vmem>>, vector<16xi32>,
        %mul3A_117 = arith.constant 16 : i32
        %mul3A_118 = arith.muli %scan3A_113, %mul3A_117 : i32
        %get3A_119 = arith.index_cast %mul3A_118 : i32 to index
        %get3A_120 = tpu.vector_load %arg11[%get3A_119] {strides = array<i32>} : memref<80xf32, #tpu.memory_space<vmem>>, vector<16xf32>,
        tpu.vector_store_idx %arg14[%get3A_116], %get3A_120 {add = true} : memref<10000xf32, #tpu.memory_space<vmem>>[vector<16xi32>], vector<16xf32>,
      }
      %scan3A_112 = arith.constant 5 : i32
    }
    %scan3A_19 = arith.constant 62 : i32
    %scan3A_20 = arith.constant 0 : i32
    %scan3A_21 = arith.constant 124 : i32
    %mul3A_22 = arith.constant 80 : i32
    %mul3A_23 = arith.muli %scan3A_21, %mul3A_22 : i32
    %add3A_24 = arith.addi %mul3A_13, %mul3A_23 : i32
    %dma_start3A = tpu.memref_slice %arg4[%add3A_24] : memref<320000xi32, #tpu.memory_space<hbm>> -> memref<80xi32, #tpu.memory_space<hbm>>
    %dma_start3A_25 = tpu.memref_slice %arg4[%add3A_24] : memref<320000xi32, #tpu.memory_space<hbm>> -> memref<80xi32, #tpu.memory_space<hbm>>
    tpu.enqueue_dma source(%dma_start3A_25 : memref<80xi32, #tpu.memory_space<hbm>>) target(%arg8 : memref<80xi32, #tpu.memory_space<vmem>>) target_semaphore(%arg16 : memref<!tpu.dma_semaphore, #tpu.memory_space<semaphore_mem>>)
    %dma_start3A_26 = tpu.memref_slice %arg3[%add3A_24] : memref<320000xf32, #tpu.memory_space<hbm>> -> memref<80xf32, #tpu.memory_space<hbm>>
    %dma_start3A_27 = tpu.memref_slice %arg3[%add3A_24] : memref<320000xf32, #tpu.memory_space<hbm>> -> memref<80xf32, #tpu.memory_space<hbm>>
    tpu.enqueue_dma source(%dma_start3A_27 : memref<80xf32, #tpu.memory_space<hbm>>) target(%arg10 : memref<80xf32, #tpu.memory_space<vmem>>) target_semaphore(%arg18 : memref<!tpu.dma_semaphore, #tpu.memory_space<semaphore_mem>>)
    %dma_start3A_28 = arith.constant 0 : i32
    %dma_start3A_29 = tpu.memref_slice %arg2[%add3A_24, %dma_start3A_28] : memref<320000x128xf32, #tpu.memory_space<hbm>> -> memref<80x128xf32, #tpu.memory_space<hbm>>
    %dma_start3A_30 = arith.constant 0 : i32
    %dma_start3A_31 = tpu.memref_slice %arg2[%add3A_24, %dma_start3A_30] : memref<320000x128xf32, #tpu.memory_space<hbm>> -> memref<80x128xf32, #tpu.memory_space<hbm>>
    tpu.enqueue_dma source(%dma_start3A_31 : memref<80x128xf32, #tpu.memory_space<hbm>>) target(%arg12 : memref<80x128xf32, #tpu.memory_space<vmem>>) target_semaphore(%arg20 : memref<!tpu.dma_semaphore, #tpu.memory_space<semaphore_mem>>)
    %dma_wait3A = tpu.memref_slice %arg4[%add3A_24] : memref<320000xi32, #tpu.memory_space<hbm>> -> memref<80xi32, #tpu.memory_space<hbm>>
    %dma_wait3A_32 = tpu.memref_slice %arg4[%add3A_24] : memref<320000xi32, #tpu.memory_space<hbm>> -> memref<80xi32, #tpu.memory_space<hbm>>
    tpu.wait_dma2 semaphore(%arg16 : memref<!tpu.dma_semaphore, #tpu.memory_space<semaphore_mem>>) src(%dma_wait3A_32 : memref<80xi32, #tpu.memory_space<hbm>>) dst(%arg8 : memref<80xi32, #tpu.memory_space<vmem>>)
    %dma_wait3A_33 = tpu.memref_slice %arg3[%add3A_24] : memref<320000xf32, #tpu.memory_space<hbm>> -> memref<80xf32, #tpu.memory_space<hbm>>
    %dma_wait3A_34 = tpu.memref_slice %arg3[%add3A_24] : memref<320000xf32, #tpu.memory_space<hbm>> -> memref<80xf32, #tpu.memory_space<hbm>>
    tpu.wait_dma2 semaphore(%arg18 : memref<!tpu.dma_semaphore, #tpu.memory_space<semaphore_mem>>) src(%dma_wait3A_34 : memref<80xf32, #tpu.memory_space<hbm>>) dst(%arg10 : memref<80xf32, #tpu.memory_space<vmem>>)
    %dma_wait3A_35 = arith.constant 0 : i32
    %dma_wait3A_36 = tpu.memref_slice %arg2[%add3A_24, %dma_wait3A_35] : memref<320000x128xf32, #tpu.memory_space<hbm>> -> memref<80x128xf32, #tpu.memory_space<hbm>>
    %dma_wait3A_37 = arith.constant 0 : i32
    %dma_wait3A_38 = tpu.memref_slice %arg2[%add3A_24, %dma_wait3A_37] : memref<320000x128xf32, #tpu.memory_space<hbm>> -> memref<80x128xf32, #tpu.memory_space<hbm>>
    tpu.wait_dma2 semaphore(%arg20 : memref<!tpu.dma_semaphore, #tpu.memory_space<semaphore_mem>>) src(%dma_wait3A_38 : memref<80x128xf32, #tpu.memory_space<hbm>>) dst(%arg12 : memref<80x128xf32, #tpu.memory_space<vmem>>)
    "tpu.region"() ({
      %run_scoped3A = tpu.sem_alloc : memref<!tpu.dma_semaphore, #tpu.memory_space<semaphore_mem>>
      %dma_start3A_56 = arith.constant 0 : i32
      %dma_start3A_57 = arith.constant 0 : i32
      %dma_start3A_58 = tpu.memref_slice %arg15[%dma_start3A_56, %dma_start3A_57] : memref<10000x128xf32, #tpu.memory_space<vmem_shared>> -> memref<10000x128xf32, #tpu.memory_space<vmem_shared>>
      tpu.enqueue_indirect_dma source(%arg12 : memref<80x128xf32, #tpu.memory_space<vmem>>) target(%dma_start3A_58 : memref<10000x128xf32, #tpu.memory_space<vmem_shared>>) offsets(%arg8 : memref<80xi32, #tpu.memory_space<vmem>>) semaphore(%run_scoped3A : memref<!tpu.dma_semaphore, #tpu.memory_space<semaphore_mem>>) {add = true}
      %dma_wait3A_59 = arith.constant 0 : i32
      %dma_wait3A_60 = arith.constant 0 : i32
      %dma_wait3A_61 = tpu.memref_slice %arg15[%dma_wait3A_59, %dma_wait3A_60] : memref<10000x128xf32, #tpu.memory_space<vmem_shared>> -> memref<10000x128xf32, #tpu.memory_space<vmem_shared>>
      tpu.wait_indirect_dma semaphore(%run_scoped3A : memref<!tpu.dma_semaphore, #tpu.memory_space<semaphore_mem>>) src(%arg12 : memref<80x128xf32, #tpu.memory_space<vmem>>) dst(%dma_wait3A_61 : memref<10000x128xf32, #tpu.memory_space<vmem_shared>>)
      tpu.yield
    }) : () -> ()
    %scan3A_39 = arith.constant 0 : i32
    %scan3A_40 = arith.constant 0 : i32
    %scan3A_41 = arith.constant 5 : i32
    %scan3A_42 = arith.addi %scan3A_40, %scan3A_41 : i32
    %scan3A_43 = arith.constant 1 : i32
    scf.for %scan3A_56 = %scan3A_40 to %scan3A_42 step %scan3A_43  : i32 {
      %mul3A_57 = arith.constant 16 : i32
      %mul3A_58 = arith.muli %scan3A_56, %mul3A_57 : i32
      %get3A = arith.index_cast %mul3A_58 : i32 to index
      %get3A_59 = tpu.vector_load %arg8[%get3A] {strides = array<i32>} : memref<80xi32, #tpu.memory_space<vmem>>, vector<16xi32>,
      %mul3A_60 = arith.constant 16 : i32
      %mul3A_61 = arith.muli %scan3A_56, %mul3A_60 : i32
      %get3A_62 = arith.index_cast %mul3A_61 : i32 to index
      %get3A_63 = tpu.vector_load %arg10[%get3A_62] {strides = array<i32>} : memref<80xf32, #tpu.memory_space<vmem>>, vector<16xf32>,
      tpu.vector_store_idx %arg14[%get3A_59], %get3A_63 {add = true} : memref<10000xf32, #tpu.memory_space<vmem>>[vector<16xi32>], vector<16xf32>,
    }
    %scan3A_44 = arith.constant 5 : i32
    %scan3A_45 = arith.constant 1 : i32
    %barrier3A_46 = arith.constant 0 : index
    tpu.barrier barrier_id(%barrier3A_46)
    %mul3A_47 = arith.constant 624 : i32
    %mul3A_48 = arith.muli %arg1, %mul3A_47 : i32
    %mul3A_49 = arith.constant 624 : i32
    %mul3A_50 = arith.muli %arg1, %mul3A_49 : i32
    "tpu.region"() ({
      %run_scoped3A = tpu.sem_alloc : memref<!tpu.dma_semaphore, #tpu.memory_space<semaphore_mem>>
      %dma_start3A_56 = arith.constant 0 : i32
      %dma_start3A_57 = tpu.memref_slice %arg6[%arg0, %mul3A_50, %dma_start3A_56] : memref<2x10000x128xf32, #tpu.memory_space<hbm>> -> memref<1x624x128xf32, #tpu.memory_space<hbm>>
      %dma_start3A_58 = tpu.memref_squeeze %dma_start3A_57 : memref<1x624x128xf32, #tpu.memory_space<hbm>> -> memref<624x128xf32, #tpu.memory_space<hbm>>
      %dma_start3A_59 = arith.constant 0 : i32
      %dma_start3A_60 = tpu.memref_slice %arg15[%mul3A_48, %dma_start3A_59] : memref<10000x128xf32, #tpu.memory_space<vmem_shared>> -> memref<624x128xf32, #tpu.memory_space<vmem_shared>>
      tpu.enqueue_dma source(%dma_start3A_60 : memref<624x128xf32, #tpu.memory_space<vmem_shared>>) target(%dma_start3A_58 : memref<624x128xf32, #tpu.memory_space<hbm>>) target_semaphore(%run_scoped3A : memref<!tpu.dma_semaphore, #tpu.memory_space<semaphore_mem>>)
      %dma_wait3A_61 = arith.constant 0 : i32
      %dma_wait3A_62 = tpu.memref_slice %arg6[%arg0, %mul3A_50, %dma_wait3A_61] : memref<2x10000x128xf32, #tpu.memory_space<hbm>> -> memref<1x624x128xf32, #tpu.memory_space<hbm>>
      %dma_wait3A_63 = tpu.memref_squeeze %dma_wait3A_62 : memref<1x624x128xf32, #tpu.memory_space<hbm>> -> memref<624x128xf32, #tpu.memory_space<hbm>>
      %dma_wait3A_64 = arith.constant 0 : i32
      %dma_wait3A_65 = tpu.memref_slice %arg15[%mul3A_48, %dma_wait3A_64] : memref<10000x128xf32, #tpu.memory_space<vmem_shared>> -> memref<624x128xf32, #tpu.memory_space<vmem_shared>>
      tpu.wait_dma2 semaphore(%run_scoped3A : memref<!tpu.dma_semaphore, #tpu.memory_space<semaphore_mem>>) src(%dma_wait3A_65 : memref<624x128xf32, #tpu.memory_space<vmem_shared>>) dst(%dma_wait3A_63 : memref<624x128xf32, #tpu.memory_space<hbm>>)
      tpu.yield
    }) : () -> ()
    %eq3A_51 = arith.constant 0 : i32
    %eq3A_52 = arith.cmpi eq, %arg1, %eq3A_51 : i32
    %convert_element_type3A_53 = arith.extui %eq3A_52 : i1 to i32
    %cond3A_54 = arith.constant 0 : i32
    %cond3A_55 = arith.cmpi ne, %convert_element_type3A_53, %cond3A_54 : i32
    scf.if %cond3A_55 {
      "tpu.region"() ({
        %run_scoped3A = tpu.sem_alloc : memref<!tpu.dma_semaphore, #tpu.memory_space<semaphore_mem>>
        %dma_start3A_56 = arith.constant 9984 : i32
        %dma_start3A_57 = arith.constant 0 : i32
        %dma_start3A_58 = tpu.memref_slice %arg6[%arg0, %dma_start3A_56, %dma_start3A_57] : memref<2x10000x128xf32, #tpu.memory_space<hbm>> -> memref<1x16x128xf32, #tpu.memory_space<hbm>>
        %dma_start3A_59 = tpu.memref_squeeze %dma_start3A_58 : memref<1x16x128xf32, #tpu.memory_space<hbm>> -> memref<16x128xf32, #tpu.memory_space<hbm>>
        %dma_start3A_60 = arith.constant 9984 : i32
        %dma_start3A_61 = arith.constant 0 : i32
        %dma_start3A_62 = tpu.memref_slice %arg15[%dma_start3A_60, %dma_start3A_61] : memref<10000x128xf32, #tpu.memory_space<vmem_shared>> -> memref<16x128xf32, #tpu.memory_space<vmem_shared>>
        tpu.enqueue_dma source(%dma_start3A_62 : memref<16x128xf32, #tpu.memory_space<vmem_shared>>) target(%dma_start3A_59 : memref<16x128xf32, #tpu.memory_space<hbm>>) target_semaphore(%run_scoped3A : memref<!tpu.dma_semaphore, #tpu.memory_space<semaphore_mem>>)
        %dma_wait3A_63 = arith.constant 9984 : i32
        %dma_wait3A_64 = arith.constant 0 : i32
        %dma_wait3A_65 = tpu.memref_slice %arg6[%arg0, %dma_wait3A_63, %dma_wait3A_64] : memref<2x10000x128xf32, #tpu.memory_space<hbm>> -> memref<1x16x128xf32, #tpu.memory_space<hbm>>
        %dma_wait3A_66 = tpu.memref_squeeze %dma_wait3A_65 : memref<1x16x128xf32, #tpu.memory_space<hbm>> -> memref<16x128xf32, #tpu.memory_space<hbm>>
        %dma_wait3A_67 = arith.constant 9984 : i32
        %dma_wait3A_68 = arith.constant 0 : i32
        %dma_wait3A_69 = tpu.memref_slice %arg15[%dma_wait3A_67, %dma_wait3A_68] : memref<10000x128xf32, #tpu.memory_space<vmem_shared>> -> memref<16x128xf32, #tpu.memory_space<vmem_shared>>
        tpu.wait_dma2 semaphore(%run_scoped3A : memref<!tpu.dma_semaphore, #tpu.memory_space<semaphore_mem>>) src(%dma_wait3A_69 : memref<16x128xf32, #tpu.memory_space<vmem_shared>>) dst(%dma_wait3A_66 : memref<16x128xf32, #tpu.memory_space<hbm>>)
        tpu.yield
      }) : () -> ()
    } else {
    }
    "tpu.region"() ({
      %run_scoped3A = tpu.sem_alloc : memref<!tpu.dma_semaphore, #tpu.memory_space<semaphore_mem>>
      %dma_start3A_56 = arith.constant 0 : i32
      %dma_start3A_57 = tpu.memref_slice %arg7[%add3A, %dma_start3A_56] : memref<32x10000xf32, #tpu.memory_space<hbm>> -> memref<1x10000xf32, #tpu.memory_space<hbm>>
      %dma_start3A_58 = tpu.memref_squeeze %dma_start3A_57 : memref<1x10000xf32, #tpu.memory_space<hbm>> -> memref<10000xf32, #tpu.memory_space<hbm>>
      %dma_start3A_59 = arith.constant 0 : i32
      %dma_start3A_60 = tpu.memref_slice %arg7[%add3A, %dma_start3A_59] : memref<32x10000xf32, #tpu.memory_space<hbm>> -> memref<1x10000xf32, #tpu.memory_space<hbm>>
      %dma_start3A_61 = tpu.memref_squeeze %dma_start3A_60 : memref<1x10000xf32, #tpu.memory_space<hbm>> -> memref<10000xf32, #tpu.memory_space<hbm>>
      tpu.enqueue_dma source(%arg14 : memref<10000xf32, #tpu.memory_space<vmem>>) target(%dma_start3A_61 : memref<10000xf32, #tpu.memory_space<hbm>>) target_semaphore(%run_scoped3A : memref<!tpu.dma_semaphore, #tpu.memory_space<semaphore_mem>>)
      %dma_wait3A_62 = arith.constant 0 : i32
      %dma_wait3A_63 = tpu.memref_slice %arg7[%add3A, %dma_wait3A_62] : memref<32x10000xf32, #tpu.memory_space<hbm>> -> memref<1x10000xf32, #tpu.memory_space<hbm>>
      %dma_wait3A_64 = tpu.memref_squeeze %dma_wait3A_63 : memref<1x10000xf32, #tpu.memory_space<hbm>> -> memref<10000xf32, #tpu.memory_space<hbm>>
      %dma_wait3A_65 = arith.constant 0 : i32
      %dma_wait3A_66 = tpu.memref_slice %arg7[%add3A, %dma_wait3A_65] : memref<32x10000xf32, #tpu.memory_space<hbm>> -> memref<1x10000xf32, #tpu.memory_space<hbm>>
      %dma_wait3A_67 = tpu.memref_squeeze %dma_wait3A_66 : memref<1x10000xf32, #tpu.memory_space<hbm>> -> memref<10000xf32, #tpu.memory_space<hbm>>
      tpu.wait_dma2 semaphore(%run_scoped3A : memref<!tpu.dma_semaphore, #tpu.memory_space<semaphore_mem>>) src(%arg14 : memref<10000xf32, #tpu.memory_space<vmem>>) dst(%dma_wait3A_67 : memref<10000xf32, #tpu.memory_space<hbm>>)
      tpu.yield
    }) : () -> ()
    return
  }
}

module attributes {stable_mosaic.version = 14 : i64} {
  func.func @_node_kernel(%arg0: i32, %arg1: memref<1000x128xf32, #tpu.memory_space<vmem>>, %arg2: memref<1000x3xf32, #tpu.memory_space<vmem>>, %arg3: memref<128x128xf32, #tpu.memory_space<vmem>>, %arg4: memref<1x128xf32, #tpu.memory_space<vmem>>, %arg5: memref<1x128xf32, #tpu.memory_space<vmem>>, %arg6: memref<1x128xf32, #tpu.memory_space<vmem>>, %arg7: memref<128x128xf32, #tpu.memory_space<vmem>>, %arg8: memref<3x128xf32, #tpu.memory_space<vmem>>, %arg9: memref<128x128xf32, #tpu.memory_space<vmem>>, %arg10: memref<1x128xf32, #tpu.memory_space<vmem>>, %arg11: memref<3x128xf32, #tpu.memory_space<vmem>>, %arg12: memref<1000x384xf32, #tpu.memory_space<vmem>>, %arg13: memref<1000x256xf32, #tpu.memory_space<vmem>>) attributes {dimension_semantics = [#tpu.dimension_semantics<arbitrary>], iteration_bounds = array<i64: 10>, scalar_prefetch = 0 : i64, scratch_operands = 0 : i64, tpu.core_type = #tpu.core_type<tc>, window_params = [{transform_indices = @transform_0, window_bounds = array<i64: 1000, 128>}, {transform_indices = @transform_1, window_bounds = array<i64: 1000, 3>}, {pipeline_mode = #tpu.pipeline_mode<synchronous>, transform_indices = @transform_2, window_bounds = array<i64: 128, 128>}, {pipeline_mode = #tpu.pipeline_mode<synchronous>, transform_indices = @transform_3, window_bounds = array<i64: 1, 128>}, {pipeline_mode = #tpu.pipeline_mode<synchronous>, transform_indices = @transform_4, window_bounds = array<i64: 1, 128>}, {pipeline_mode = #tpu.pipeline_mode<synchronous>, transform_indices = @transform_5, window_bounds = array<i64: 1, 128>}, {pipeline_mode = #tpu.pipeline_mode<synchronous>, transform_indices = @transform_6, window_bounds = array<i64: 128, 128>}, {pipeline_mode = #tpu.pipeline_mode<synchronous>, transform_indices = @transform_7, window_bounds = array<i64: 3, 128>}, {pipeline_mode = #tpu.pipeline_mode<synchronous>, transform_indices = @transform_8, window_bounds = array<i64: 128, 128>}, {pipeline_mode = #tpu.pipeline_mode<synchronous>, transform_indices = @transform_9, window_bounds = array<i64: 1, 128>}, {pipeline_mode = #tpu.pipeline_mode<synchronous>, transform_indices = @transform_10, window_bounds = array<i64: 3, 128>}, {transform_indices = @transform_11, window_bounds = array<i64: 1000, 384>}, {transform_indices = @transform_12, window_bounds = array<i64: 1000, 256>}]} {
    %get3A = arith.constant 0 : index
    %get3A_0 = arith.constant 0 : index
    %get3A_1 = vector.load %arg1[%get3A, %get3A_0] : memref<1000x128xf32, #tpu.memory_space<vmem>>, vector<1000x128xf32>
    %get3A_2 = arith.constant 0 : index
    %get3A_3 = arith.constant 0 : index
    %get3A_4 = vector.load %arg3[%get3A_2, %get3A_3] : memref<128x128xf32, #tpu.memory_space<vmem>>, vector<128x128xf32>
    %dot_general3A = arith.constant dense<0.000000e+00> : vector<1000x128xf32>
    %dot_general3A_5 = tpu.matmul %get3A_1, %get3A_4, %dot_general3A {dimension_numbers = #tpu.dot_dimension_numbers<[1], [0], [0], [1], [0, 0, 1, 1], [], []>, transpose_lhs_hint = false} : vector<1000x128xf32>, vector<128x128xf32>, vector<1000x128xf32> -> vector<1000x128xf32>
    %get3A_6 = arith.constant 0 : index
    %get3A_7 = arith.constant 0 : index
    %get3A_8 = vector.load %arg4[%get3A_6, %get3A_7] : memref<1x128xf32, #tpu.memory_space<vmem>>, vector<1x128xf32>
    %add3A = vector.broadcast %get3A_8 : vector<1x128xf32> to vector<1000x128xf32>
    %add3A_9 = arith.addf %dot_general3A_5, %add3A : vector<1000x128xf32>
    %max3A = arith.constant 0.000000e+00 : f32
    %max3A_10 = vector.broadcast %max3A : f32 to vector<1000x128xf32>
    %max3A_11 = arith.maximumf %add3A_9, %max3A_10 : vector<1000x128xf32>
    %get3A_12 = arith.constant 0 : index
    %get3A_13 = arith.constant 0 : index
    %get3A_14 = vector.load %arg5[%get3A_12, %get3A_13] : memref<1x128xf32, #tpu.memory_space<vmem>>, vector<1x128xf32>
    %get3A_15 = arith.constant 0 : index
    %get3A_16 = arith.constant 0 : index
    %get3A_17 = vector.load %arg6[%get3A_15, %get3A_16] : memref<1x128xf32, #tpu.memory_space<vmem>>, vector<1x128xf32>
    %reduce_sum3A = arith.constant dense<0.000000e+00> : vector<1000xf32>
    %reduce_sum3A_18 = vector.multi_reduction <add>, %max3A_11, %reduce_sum3A [1] : vector<1000x128xf32> to vector<1000xf32>
    %broadcast_in_dim3A = vector.shape_cast %reduce_sum3A_18 : vector<1000xf32> to vector<1000x1xf32>
    %div3A = arith.constant 1.280000e+02 : f32
    %div3A_19 = vector.broadcast %div3A : f32 to vector<1000x1xf32>
    %div3A_20 = arith.divf %broadcast_in_dim3A, %div3A_19 : vector<1000x1xf32>
    %sub3A = vector.broadcast %div3A_20 : vector<1000x1xf32> to vector<1000x128xf32>
    %sub3A_21 = arith.subf %max3A_11, %sub3A : vector<1000x128xf32>
    %integer_pow3A = arith.mulf %sub3A_21, %sub3A_21 : vector<1000x128xf32>
    %reduce_sum3A_22 = arith.constant dense<0.000000e+00> : vector<1000xf32>
    %reduce_sum3A_23 = vector.multi_reduction <add>, %integer_pow3A, %reduce_sum3A_22 [1] : vector<1000x128xf32> to vector<1000xf32>
    %broadcast_in_dim3A_24 = vector.shape_cast %reduce_sum3A_23 : vector<1000xf32> to vector<1000x1xf32>
    %div3A_25 = arith.constant 1.280000e+02 : f32
    %div3A_26 = vector.broadcast %div3A_25 : f32 to vector<1000x1xf32>
    %div3A_27 = arith.divf %broadcast_in_dim3A_24, %div3A_26 : vector<1000x1xf32>
    %sub3A_28 = vector.broadcast %div3A_20 : vector<1000x1xf32> to vector<1000x128xf32>
    %sub3A_29 = arith.subf %max3A_11, %sub3A_28 : vector<1000x128xf32>
    %add3A_30 = arith.constant 9.99999974E-6 : f32
    %add3A_31 = vector.broadcast %add3A_30 : f32 to vector<1000x1xf32>
    %add3A_32 = arith.addf %div3A_27, %add3A_31 : vector<1000x1xf32>
    %sqrt3A = math.sqrt %add3A_32 : vector<1000x1xf32>
    %div3A_33 = vector.broadcast %sqrt3A : vector<1000x1xf32> to vector<1000x128xf32>
    %div3A_34 = arith.divf %sub3A_29, %div3A_33 : vector<1000x128xf32>
    %mul3A = vector.broadcast %get3A_14 : vector<1x128xf32> to vector<1000x128xf32>
    %mul3A_35 = arith.mulf %div3A_34, %mul3A : vector<1000x128xf32>
    %add3A_36 = vector.broadcast %get3A_17 : vector<1x128xf32> to vector<1000x128xf32>
    %add3A_37 = arith.addf %mul3A_35, %add3A_36 : vector<1000x128xf32>
    %get3A_38 = arith.constant 0 : index
    %get3A_39 = arith.constant 0 : index
    %get3A_40 = vector.load %arg2[%get3A_38, %get3A_39] : memref<1000x3xf32, #tpu.memory_space<vmem>>, vector<1000x3xf32>
    %get3A_41 = arith.constant 0 : index
    %get3A_42 = arith.constant 0 : index
    %get3A_43 = vector.load %arg7[%get3A_41, %get3A_42] : memref<128x128xf32, #tpu.memory_space<vmem>>, vector<128x128xf32>
    %dot_general3A_44 = arith.constant dense<0.000000e+00> : vector<1000x128xf32>
    %dot_general3A_45 = tpu.matmul %add3A_37, %get3A_43, %dot_general3A_44 {dimension_numbers = #tpu.dot_dimension_numbers<[1], [0], [0], [1], [0, 0, 1, 1], [], []>, transpose_lhs_hint = false} : vector<1000x128xf32>, vector<128x128xf32>, vector<1000x128xf32> -> vector<1000x128xf32>
    %get3A_46 = arith.constant 0 : index
    %get3A_47 = arith.constant 0 : index
    %get3A_48 = vector.load %arg8[%get3A_46, %get3A_47] : memref<3x128xf32, #tpu.memory_space<vmem>>, vector<3x128xf32>
    %dot_general3A_49 = arith.constant dense<0.000000e+00> : vector<1000x128xf32>
    %dot_general3A_50 = tpu.matmul %get3A_40, %get3A_48, %dot_general3A_49 {dimension_numbers = #tpu.dot_dimension_numbers<[1], [0], [0], [1], [0, 0, 1, 1], [], []>, transpose_lhs_hint = false} : vector<1000x3xf32>, vector<3x128xf32>, vector<1000x128xf32> -> vector<1000x128xf32>
    %add3A_51 = arith.addf %dot_general3A_45, %dot_general3A_50 : vector<1000x128xf32>
    %get3A_52 = arith.constant 0 : index
    %get3A_53 = arith.constant 0 : index
    %get3A_54 = vector.load %arg9[%get3A_52, %get3A_53] : memref<128x128xf32, #tpu.memory_space<vmem>>, vector<128x128xf32>
    %dot_general3A_55 = arith.constant dense<0.000000e+00> : vector<1000x128xf32>
    %dot_general3A_56 = tpu.matmul %add3A_37, %get3A_54, %dot_general3A_55 {dimension_numbers = #tpu.dot_dimension_numbers<[1], [0], [0], [1], [0, 0, 1, 1], [], []>, transpose_lhs_hint = false} : vector<1000x128xf32>, vector<128x128xf32>, vector<1000x128xf32> -> vector<1000x128xf32>
    %get3A_57 = arith.constant 0 : index
    %get3A_58 = arith.constant 0 : index
    %get3A_59 = vector.load %arg10[%get3A_57, %get3A_58] : memref<1x128xf32, #tpu.memory_space<vmem>>, vector<1x128xf32>
    %add3A_60 = vector.broadcast %get3A_59 : vector<1x128xf32> to vector<1000x128xf32>
    %add3A_61 = arith.addf %dot_general3A_56, %add3A_60 : vector<1000x128xf32>
    %get3A_62 = arith.constant 0 : index
    %get3A_63 = arith.constant 0 : index
    %get3A_64 = vector.load %arg11[%get3A_62, %get3A_63] : memref<3x128xf32, #tpu.memory_space<vmem>>, vector<3x128xf32>
    %dot_general3A_65 = arith.constant dense<0.000000e+00> : vector<1000x128xf32>
    %dot_general3A_66 = tpu.matmul %get3A_40, %get3A_64, %dot_general3A_65 {dimension_numbers = #tpu.dot_dimension_numbers<[1], [0], [0], [1], [0, 0, 1, 1], [], []>, transpose_lhs_hint = false} : vector<1000x3xf32>, vector<3x128xf32>, vector<1000x128xf32> -> vector<1000x128xf32>
    %swap3A = arith.constant 0 : index
    %swap3A_67 = arith.constant 0 : index
    %swap3A_68 = vector.load %arg12[%swap3A, %swap3A_67] : memref<1000x384xf32, #tpu.memory_space<vmem>>, vector<1000x128xf32>
    tpu.vector_store %arg12[%swap3A, %swap3A_67], %add3A_51 {strides = array<i32>} : memref<1000x384xf32, #tpu.memory_space<vmem>>, vector<1000x128xf32>,
    %swap3A_69 = arith.constant 0 : index
    %swap3A_70 = arith.constant 128 : index
    %swap3A_71 = vector.load %arg12[%swap3A_69, %swap3A_70] : memref<1000x384xf32, #tpu.memory_space<vmem>>, vector<1000x128xf32>
    tpu.vector_store %arg12[%swap3A_69, %swap3A_70], %add3A_61 {strides = array<i32>} : memref<1000x384xf32, #tpu.memory_space<vmem>>, vector<1000x128xf32>,
    %swap3A_72 = arith.constant 0 : index
    %swap3A_73 = arith.constant 256 : index
    %swap3A_74 = vector.load %arg12[%swap3A_72, %swap3A_73] : memref<1000x384xf32, #tpu.memory_space<vmem>>, vector<1000x128xf32>
    tpu.vector_store %arg12[%swap3A_72, %swap3A_73], %dot_general3A_66 {strides = array<i32>} : memref<1000x384xf32, #tpu.memory_space<vmem>>, vector<1000x128xf32>,
    %swap3A_75 = arith.constant 0 : index
    %swap3A_76 = arith.constant 0 : index
    %swap3A_77 = vector.load %arg13[%swap3A_75, %swap3A_76] : memref<1000x256xf32, #tpu.memory_space<vmem>>, vector<1000x128xf32>
    tpu.vector_store %arg13[%swap3A_75, %swap3A_76], %add3A_51 {strides = array<i32>} : memref<1000x256xf32, #tpu.memory_space<vmem>>, vector<1000x128xf32>,
    %swap3A_78 = arith.constant 0 : index
    %swap3A_79 = arith.constant 128 : index
    %swap3A_80 = vector.load %arg13[%swap3A_78, %swap3A_79] : memref<1000x256xf32, #tpu.memory_space<vmem>>, vector<1000x128xf32>
    tpu.vector_store %arg13[%swap3A_78, %swap3A_79], %dot_general3A_66 {strides = array<i32>} : memref<1000x256xf32, #tpu.memory_space<vmem>>, vector<1000x128xf32>,
    return
  }
  func.func @transform_0(%arg0: i32) -> (i32, i32) {
    %c0_i32 = arith.constant 0 : i32
    %c0_i32_0 = arith.constant 0 : i32
    return %arg0, %c0_i32 : i32, i32
  }
  func.func @transform_1(%arg0: i32) -> (i32, i32) {
    %c0_i32 = arith.constant 0 : i32
    %c0_i32_0 = arith.constant 0 : i32
    return %arg0, %c0_i32 : i32, i32
  }
  func.func @transform_2(%arg0: i32) -> (i32, i32) {
    %c0_i32 = arith.constant 0 : i32
    %c0_i32_0 = arith.constant 0 : i32
    %c0_i32_1 = arith.constant 0 : i32
    return %c0_i32, %c0_i32_0 : i32, i32
  }
  func.func @transform_3(%arg0: i32) -> (i32, i32) {
    %c0_i32 = arith.constant 0 : i32
    %c0_i32_0 = arith.constant 0 : i32
    %c0_i32_1 = arith.constant 0 : i32
    return %c0_i32, %c0_i32_0 : i32, i32
  }
  func.func @transform_4(%arg0: i32) -> (i32, i32) {
    %c0_i32 = arith.constant 0 : i32
    %c0_i32_0 = arith.constant 0 : i32
    %c0_i32_1 = arith.constant 0 : i32
    return %c0_i32, %c0_i32_0 : i32, i32
  }
  func.func @transform_5(%arg0: i32) -> (i32, i32) {
    %c0_i32 = arith.constant 0 : i32
    %c0_i32_0 = arith.constant 0 : i32
    %c0_i32_1 = arith.constant 0 : i32
    return %c0_i32, %c0_i32_0 : i32, i32
  }
  func.func @transform_6(%arg0: i32) -> (i32, i32) {
    %c0_i32 = arith.constant 0 : i32
    %c0_i32_0 = arith.constant 0 : i32
    %c0_i32_1 = arith.constant 0 : i32
    return %c0_i32, %c0_i32_0 : i32, i32
  }
  func.func @transform_7(%arg0: i32) -> (i32, i32) {
    %c0_i32 = arith.constant 0 : i32
    %c0_i32_0 = arith.constant 0 : i32
    %c0_i32_1 = arith.constant 0 : i32
    return %c0_i32, %c0_i32_0 : i32, i32
  }
  func.func @transform_8(%arg0: i32) -> (i32, i32) {
    %c0_i32 = arith.constant 0 : i32
    %c0_i32_0 = arith.constant 0 : i32
    %c0_i32_1 = arith.constant 0 : i32
    return %c0_i32, %c0_i32_0 : i32, i32
  }
  func.func @transform_9(%arg0: i32) -> (i32, i32) {
    %c0_i32 = arith.constant 0 : i32
    %c0_i32_0 = arith.constant 0 : i32
    %c0_i32_1 = arith.constant 0 : i32
    return %c0_i32, %c0_i32_0 : i32, i32
  }
  func.func @transform_10(%arg0: i32) -> (i32, i32) {
    %c0_i32 = arith.constant 0 : i32
    %c0_i32_0 = arith.constant 0 : i32
    %c0_i32_1 = arith.constant 0 : i32
    return %c0_i32, %c0_i32_0 : i32, i32
  }
  func.func @transform_11(%arg0: i32) -> (i32, i32) {
    %c0_i32 = arith.constant 0 : i32
    %c0_i32_0 = arith.constant 0 : i32
    return %arg0, %c0_i32 : i32, i32
  }
  func.func @transform_12(%arg0: i32) -> (i32, i32) {
    %c0_i32 = arith.constant 0 : i32
    %c0_i32_0 = arith.constant 0 : i32
    return %arg0, %c0_i32 : i32, i32
  }
}

module attributes {stable_mosaic.version = 14 : i64} {
  func.func @_edge_kernel(%arg0: i32, %arg1: memref<2560x384xf32, #tpu.memory_space<vmem>>, %arg2: memref<2560x256xf32, #tpu.memory_space<vmem>>, %arg3: memref<1x128xf32, #tpu.memory_space<vmem>>, %arg4: memref<1x128xf32, #tpu.memory_space<vmem>>, %arg5: memref<1x128xf32, #tpu.memory_space<vmem>>, %arg6: memref<1x128xf32, #tpu.memory_space<vmem>>, %arg7: memref<1x128xf32, #tpu.memory_space<vmem>>, %arg8: memref<1x128xf32, #tpu.memory_space<vmem>>, %arg9: memref<128x128xf32, #tpu.memory_space<vmem>>, %arg10: memref<1x128xf32, #tpu.memory_space<vmem>>, %arg11: memref<2560x128xf32, #tpu.memory_space<vmem>>, %arg12: memref<2560x1xf32, #tpu.memory_space<vmem>>) attributes {dimension_semantics = [#tpu.dimension_semantics<arbitrary>], iteration_bounds = array<i64: 125>, scalar_prefetch = 0 : i64, scratch_operands = 0 : i64, tpu.core_type = #tpu.core_type<tc>, window_params = [{transform_indices = @transform_0, window_bounds = array<i64: 2560, 384>}, {transform_indices = @transform_1, window_bounds = array<i64: 2560, 256>}, {pipeline_mode = #tpu.pipeline_mode<synchronous>, transform_indices = @transform_2, window_bounds = array<i64: 1, 128>}, {pipeline_mode = #tpu.pipeline_mode<synchronous>, transform_indices = @transform_3, window_bounds = array<i64: 1, 128>}, {pipeline_mode = #tpu.pipeline_mode<synchronous>, transform_indices = @transform_4, window_bounds = array<i64: 1, 128>}, {pipeline_mode = #tpu.pipeline_mode<synchronous>, transform_indices = @transform_5, window_bounds = array<i64: 1, 128>}, {pipeline_mode = #tpu.pipeline_mode<synchronous>, transform_indices = @transform_6, window_bounds = array<i64: 1, 128>}, {pipeline_mode = #tpu.pipeline_mode<synchronous>, transform_indices = @transform_7, window_bounds = array<i64: 1, 128>}, {pipeline_mode = #tpu.pipeline_mode<synchronous>, transform_indices = @transform_8, window_bounds = array<i64: 128, 128>}, {pipeline_mode = #tpu.pipeline_mode<synchronous>, transform_indices = @transform_9, window_bounds = array<i64: 1, 128>}, {transform_indices = @transform_10, window_bounds = array<i64: 2560, 128>}, {transform_indices = @transform_11, window_bounds = array<i64: 2560, 1>}]} {
    %get3A = arith.constant 0 : index
    %get3A_0 = arith.constant 0 : index
    %get3A_1 = vector.load %arg1[%get3A, %get3A_0] : memref<2560x384xf32, #tpu.memory_space<vmem>>, vector<2560x384xf32>
    %get3A_2 = arith.constant 0 : index
    %get3A_3 = arith.constant 0 : index
    %get3A_4 = vector.load %arg2[%get3A_2, %get3A_3] : memref<2560x256xf32, #tpu.memory_space<vmem>>, vector<2560x256xf32>
    %slice3A = vector.extract_strided_slice %get3A_1 {offsets = [0, 0], sizes = [2560, 128], strides = [1, 1]} : vector<2560x384xf32> to vector<2560x128xf32>
    %slice3A_5 = vector.extract_strided_slice %get3A_4 {offsets = [0, 0], sizes = [2560, 128], strides = [1, 1]} : vector<2560x256xf32> to vector<2560x128xf32>
    %sub3A = arith.subf %slice3A, %slice3A_5 : vector<2560x128xf32>
    %get3A_6 = arith.constant 0 : index
    %get3A_7 = arith.constant 0 : index
    %get3A_8 = vector.load %arg3[%get3A_6, %get3A_7] : memref<1x128xf32, #tpu.memory_space<vmem>>, vector<1x128xf32>
    %add3A = vector.broadcast %get3A_8 : vector<1x128xf32> to vector<2560x128xf32>
    %add3A_9 = arith.addf %sub3A, %add3A : vector<2560x128xf32>
    %max3A = arith.constant 0.000000e+00 : f32
    %max3A_10 = vector.broadcast %max3A : f32 to vector<2560x128xf32>
    %max3A_11 = arith.maximumf %add3A_9, %max3A_10 : vector<2560x128xf32>
    %get3A_12 = arith.constant 0 : index
    %get3A_13 = arith.constant 0 : index
    %get3A_14 = vector.load %arg4[%get3A_12, %get3A_13] : memref<1x128xf32, #tpu.memory_space<vmem>>, vector<1x128xf32>
    %get3A_15 = arith.constant 0 : index
    %get3A_16 = arith.constant 0 : index
    %get3A_17 = vector.load %arg5[%get3A_15, %get3A_16] : memref<1x128xf32, #tpu.memory_space<vmem>>, vector<1x128xf32>
    %reduce_sum3A = arith.constant dense<0.000000e+00> : vector<2560xf32>
    %reduce_sum3A_18 = vector.multi_reduction <add>, %max3A_11, %reduce_sum3A [1] : vector<2560x128xf32> to vector<2560xf32>
    %broadcast_in_dim3A = vector.shape_cast %reduce_sum3A_18 : vector<2560xf32> to vector<2560x1xf32>
    %div3A = arith.constant 1.280000e+02 : f32
    %div3A_19 = vector.broadcast %div3A : f32 to vector<2560x1xf32>
    %div3A_20 = arith.divf %broadcast_in_dim3A, %div3A_19 : vector<2560x1xf32>
    %sub3A_21 = vector.broadcast %div3A_20 : vector<2560x1xf32> to vector<2560x128xf32>
    %sub3A_22 = arith.subf %max3A_11, %sub3A_21 : vector<2560x128xf32>
    %integer_pow3A = arith.mulf %sub3A_22, %sub3A_22 : vector<2560x128xf32>
    %reduce_sum3A_23 = arith.constant dense<0.000000e+00> : vector<2560xf32>
    %reduce_sum3A_24 = vector.multi_reduction <add>, %integer_pow3A, %reduce_sum3A_23 [1] : vector<2560x128xf32> to vector<2560xf32>
    %broadcast_in_dim3A_25 = vector.shape_cast %reduce_sum3A_24 : vector<2560xf32> to vector<2560x1xf32>
    %div3A_26 = arith.constant 1.280000e+02 : f32
    %div3A_27 = vector.broadcast %div3A_26 : f32 to vector<2560x1xf32>
    %div3A_28 = arith.divf %broadcast_in_dim3A_25, %div3A_27 : vector<2560x1xf32>
    %sub3A_29 = vector.broadcast %div3A_20 : vector<2560x1xf32> to vector<2560x128xf32>
    %sub3A_30 = arith.subf %max3A_11, %sub3A_29 : vector<2560x128xf32>
    %add3A_31 = arith.constant 9.99999974E-6 : f32
    %add3A_32 = vector.broadcast %add3A_31 : f32 to vector<2560x1xf32>
    %add3A_33 = arith.addf %div3A_28, %add3A_32 : vector<2560x1xf32>
    %sqrt3A = math.sqrt %add3A_33 : vector<2560x1xf32>
    %div3A_34 = vector.broadcast %sqrt3A : vector<2560x1xf32> to vector<2560x128xf32>
    %div3A_35 = arith.divf %sub3A_30, %div3A_34 : vector<2560x128xf32>
    %mul3A = vector.broadcast %get3A_14 : vector<1x128xf32> to vector<2560x128xf32>
    %mul3A_36 = arith.mulf %div3A_35, %mul3A : vector<2560x128xf32>
    %add3A_37 = vector.broadcast %get3A_17 : vector<1x128xf32> to vector<2560x128xf32>
    %add3A_38 = arith.addf %mul3A_36, %add3A_37 : vector<2560x128xf32>
    %slice3A_39 = vector.extract_strided_slice %get3A_1 {offsets = [0, 256], sizes = [2560, 128], strides = [1, 1]} : vector<2560x384xf32> to vector<2560x128xf32>
    %slice3A_40 = vector.extract_strided_slice %get3A_4 {offsets = [0, 128], sizes = [2560, 128], strides = [1, 1]} : vector<2560x256xf32> to vector<2560x128xf32>
    %sub3A_41 = arith.subf %slice3A_39, %slice3A_40 : vector<2560x128xf32>
    %get3A_42 = arith.constant 0 : index
    %get3A_43 = arith.constant 0 : index
    %get3A_44 = vector.load %arg6[%get3A_42, %get3A_43] : memref<1x128xf32, #tpu.memory_space<vmem>>, vector<1x128xf32>
    %add3A_45 = vector.broadcast %get3A_44 : vector<1x128xf32> to vector<2560x128xf32>
    %add3A_46 = arith.addf %sub3A_41, %add3A_45 : vector<2560x128xf32>
    %max3A_47 = arith.constant 0.000000e+00 : f32
    %max3A_48 = vector.broadcast %max3A_47 : f32 to vector<2560x128xf32>
    %max3A_49 = arith.maximumf %add3A_46, %max3A_48 : vector<2560x128xf32>
    %get3A_50 = arith.constant 0 : index
    %get3A_51 = arith.constant 0 : index
    %get3A_52 = vector.load %arg7[%get3A_50, %get3A_51] : memref<1x128xf32, #tpu.memory_space<vmem>>, vector<1x128xf32>
    %get3A_53 = arith.constant 0 : index
    %get3A_54 = arith.constant 0 : index
    %get3A_55 = vector.load %arg8[%get3A_53, %get3A_54] : memref<1x128xf32, #tpu.memory_space<vmem>>, vector<1x128xf32>
    %reduce_sum3A_56 = arith.constant dense<0.000000e+00> : vector<2560xf32>
    %reduce_sum3A_57 = vector.multi_reduction <add>, %max3A_49, %reduce_sum3A_56 [1] : vector<2560x128xf32> to vector<2560xf32>
    %broadcast_in_dim3A_58 = vector.shape_cast %reduce_sum3A_57 : vector<2560xf32> to vector<2560x1xf32>
    %div3A_59 = arith.constant 1.280000e+02 : f32
    %div3A_60 = vector.broadcast %div3A_59 : f32 to vector<2560x1xf32>
    %div3A_61 = arith.divf %broadcast_in_dim3A_58, %div3A_60 : vector<2560x1xf32>
    %sub3A_62 = vector.broadcast %div3A_61 : vector<2560x1xf32> to vector<2560x128xf32>
    %sub3A_63 = arith.subf %max3A_49, %sub3A_62 : vector<2560x128xf32>
    %integer_pow3A_64 = arith.mulf %sub3A_63, %sub3A_63 : vector<2560x128xf32>
    %reduce_sum3A_65 = arith.constant dense<0.000000e+00> : vector<2560xf32>
    %reduce_sum3A_66 = vector.multi_reduction <add>, %integer_pow3A_64, %reduce_sum3A_65 [1] : vector<2560x128xf32> to vector<2560xf32>
    %broadcast_in_dim3A_67 = vector.shape_cast %reduce_sum3A_66 : vector<2560xf32> to vector<2560x1xf32>
    %div3A_68 = arith.constant 1.280000e+02 : f32
    %div3A_69 = vector.broadcast %div3A_68 : f32 to vector<2560x1xf32>
    %div3A_70 = arith.divf %broadcast_in_dim3A_67, %div3A_69 : vector<2560x1xf32>
    %sub3A_71 = vector.broadcast %div3A_61 : vector<2560x1xf32> to vector<2560x128xf32>
    %sub3A_72 = arith.subf %max3A_49, %sub3A_71 : vector<2560x128xf32>
    %add3A_73 = arith.constant 9.99999974E-6 : f32
    %add3A_74 = vector.broadcast %add3A_73 : f32 to vector<2560x1xf32>
    %add3A_75 = arith.addf %div3A_70, %add3A_74 : vector<2560x1xf32>
    %sqrt3A_76 = math.sqrt %add3A_75 : vector<2560x1xf32>
    %div3A_77 = vector.broadcast %sqrt3A_76 : vector<2560x1xf32> to vector<2560x128xf32>
    %div3A_78 = arith.divf %sub3A_72, %div3A_77 : vector<2560x128xf32>
    %mul3A_79 = vector.broadcast %get3A_52 : vector<1x128xf32> to vector<2560x128xf32>
    %mul3A_80 = arith.mulf %div3A_78, %mul3A_79 : vector<2560x128xf32>
    %add3A_81 = vector.broadcast %get3A_55 : vector<1x128xf32> to vector<2560x128xf32>
    %add3A_82 = arith.addf %mul3A_80, %add3A_81 : vector<2560x128xf32>
    %get3A_83 = arith.constant 0 : index
    %get3A_84 = arith.constant 0 : index
    %get3A_85 = vector.load %arg9[%get3A_83, %get3A_84] : memref<128x128xf32, #tpu.memory_space<vmem>>, vector<128x128xf32>
    %dot_general3A = arith.constant dense<0.000000e+00> : vector<2560x128xf32>
    %dot_general3A_86 = tpu.matmul %add3A_38, %get3A_85, %dot_general3A {dimension_numbers = #tpu.dot_dimension_numbers<[1], [0], [0], [1], [0, 0, 1, 1], [], []>, transpose_lhs_hint = false} : vector<2560x128xf32>, vector<128x128xf32>, vector<2560x128xf32> -> vector<2560x128xf32>
    %get3A_87 = arith.constant 0 : index
    %get3A_88 = arith.constant 0 : index
    %get3A_89 = vector.load %arg10[%get3A_87, %get3A_88] : memref<1x128xf32, #tpu.memory_space<vmem>>, vector<1x128xf32>
    %add3A_90 = vector.broadcast %get3A_89 : vector<1x128xf32> to vector<2560x128xf32>
    %add3A_91 = arith.addf %dot_general3A_86, %add3A_90 : vector<2560x128xf32>
    %slice3A_92 = vector.extract_strided_slice %get3A_1 {offsets = [0, 128], sizes = [2560, 128], strides = [1, 1]} : vector<2560x384xf32> to vector<2560x128xf32>
    %add3A_93 = arith.addf %slice3A_92, %add3A_82 : vector<2560x128xf32>
    %mul3A_94 = arith.mulf %add3A_93, %add3A_91 : vector<2560x128xf32>
    %reduce_sum3A_95 = arith.constant dense<0.000000e+00> : vector<2560xf32>
    %reduce_sum3A_96 = vector.multi_reduction <add>, %mul3A_94, %reduce_sum3A_95 [1] : vector<2560x128xf32> to vector<2560xf32>
    %broadcast_in_dim3A_97 = vector.shape_cast %reduce_sum3A_96 : vector<2560xf32> to vector<2560x1xf32>
    %mul3A_98 = arith.constant 0.0883883461 : f32
    %mul3A_99 = vector.broadcast %mul3A_98 : f32 to vector<2560x1xf32>
    %mul3A_100 = arith.mulf %broadcast_in_dim3A_97, %mul3A_99 : vector<2560x1xf32>
    %exp3A = math.exp %mul3A_100 : vector<2560x1xf32>
    %mul3A_101 = vector.broadcast %exp3A : vector<2560x1xf32> to vector<2560x128xf32>
    %mul3A_102 = arith.mulf %mul3A_101, %add3A_38 : vector<2560x128xf32>
    %swap3A = arith.constant 0 : index
    %swap3A_103 = arith.constant 0 : index
    %swap3A_104 = vector.load %arg11[%swap3A, %swap3A_103] : memref<2560x128xf32, #tpu.memory_space<vmem>>, vector<2560x128xf32>
    tpu.vector_store %arg11[%swap3A, %swap3A_103], %mul3A_102 {strides = array<i32>} : memref<2560x128xf32, #tpu.memory_space<vmem>>, vector<2560x128xf32>,
    %swap3A_105 = arith.constant 0 : index
    %swap3A_106 = arith.constant 0 : index
    %swap3A_107 = vector.load %arg12[%swap3A_105, %swap3A_106] : memref<2560x1xf32, #tpu.memory_space<vmem>>, vector<2560x1xf32>
    tpu.vector_store %arg12[%swap3A_105, %swap3A_106], %exp3A {strides = array<i32>} : memref<2560x1xf32, #tpu.memory_space<vmem>>, vector<2560x1xf32>,
    return
  }
  func.func @transform_0(%arg0: i32) -> (i32, i32) {
    %c0_i32 = arith.constant 0 : i32
    %c0_i32_0 = arith.constant 0 : i32
    return %arg0, %c0_i32 : i32, i32
  }
  func.func @transform_1(%arg0: i32) -> (i32, i32) {
    %c0_i32 = arith.constant 0 : i32
    %c0_i32_0 = arith.constant 0 : i32
    return %arg0, %c0_i32 : i32, i32
  }
  func.func @transform_2(%arg0: i32) -> (i32, i32) {
    %c0_i32 = arith.constant 0 : i32
    %c0_i32_0 = arith.constant 0 : i32
    %c0_i32_1 = arith.constant 0 : i32
    return %c0_i32, %c0_i32_0 : i32, i32
  }
  func.func @transform_3(%arg0: i32) -> (i32, i32) {
    %c0_i32 = arith.constant 0 : i32
    %c0_i32_0 = arith.constant 0 : i32
    %c0_i32_1 = arith.constant 0 : i32
    return %c0_i32, %c0_i32_0 : i32, i32
  }
  func.func @transform_4(%arg0: i32) -> (i32, i32) {
    %c0_i32 = arith.constant 0 : i32
    %c0_i32_0 = arith.constant 0 : i32
    %c0_i32_1 = arith.constant 0 : i32
    return %c0_i32, %c0_i32_0 : i32, i32
  }
  func.func @transform_5(%arg0: i32) -> (i32, i32) {
    %c0_i32 = arith.constant 0 : i32
    %c0_i32_0 = arith.constant 0 : i32
    %c0_i32_1 = arith.constant 0 : i32
    return %c0_i32, %c0_i32_0 : i32, i32
  }
  func.func @transform_6(%arg0: i32) -> (i32, i32) {
    %c0_i32 = arith.constant 0 : i32
    %c0_i32_0 = arith.constant 0 : i32
    %c0_i32_1 = arith.constant 0 : i32
    return %c0_i32, %c0_i32_0 : i32, i32
  }
  func.func @transform_7(%arg0: i32) -> (i32, i32) {
    %c0_i32 = arith.constant 0 : i32
    %c0_i32_0 = arith.constant 0 : i32
    %c0_i32_1 = arith.constant 0 : i32
    return %c0_i32, %c0_i32_0 : i32, i32
  }
  func.func @transform_8(%arg0: i32) -> (i32, i32) {
    %c0_i32 = arith.constant 0 : i32
    %c0_i32_0 = arith.constant 0 : i32
    %c0_i32_1 = arith.constant 0 : i32
    return %c0_i32, %c0_i32_0 : i32, i32
  }
  func.func @transform_9(%arg0: i32) -> (i32, i32) {
    %c0_i32 = arith.constant 0 : i32
    %c0_i32_0 = arith.constant 0 : i32
    %c0_i32_1 = arith.constant 0 : i32
    return %c0_i32, %c0_i32_0 : i32, i32
  }
  func.func @transform_10(%arg0: i32) -> (i32, i32) {
    %c0_i32 = arith.constant 0 : i32
    %c0_i32_0 = arith.constant 0 : i32
    return %arg0, %c0_i32 : i32, i32
  }
  func.func @transform_11(%arg0: i32) -> (i32, i32) {
    %c0_i32 = arith.constant 0 : i32
    %c0_i32_0 = arith.constant 0 : i32
    return %arg0, %c0_i32 : i32, i32
  }
}

module attributes {stable_mosaic.version = 14 : i64} {
  func.func @_final_kernel(%arg0: i32, %arg1: memref<2x1000x128xf32, #tpu.memory_space<vmem>>, %arg2: memref<1000x32xf32, #tpu.memory_space<vmem>>, %arg3: memref<1000x128xf32, #tpu.memory_space<vmem>>, %arg4: memref<1x128xf32, #tpu.memory_space<vmem>>, %arg5: memref<1x128xf32, #tpu.memory_space<vmem>>, %arg6: memref<1000x128xf32, #tpu.memory_space<vmem>>) attributes {dimension_semantics = [#tpu.dimension_semantics<arbitrary>], iteration_bounds = array<i64: 10>, scalar_prefetch = 0 : i64, scratch_operands = 0 : i64, tpu.core_type = #tpu.core_type<tc>, window_params = [{transform_indices = @transform_0, window_bounds = array<i64: 2, 1000, 128>}, {transform_indices = @transform_1, window_bounds = array<i64: 1000, 32>}, {transform_indices = @transform_2, window_bounds = array<i64: 1000, 128>}, {pipeline_mode = #tpu.pipeline_mode<synchronous>, transform_indices = @transform_3, window_bounds = array<i64: 1, 128>}, {pipeline_mode = #tpu.pipeline_mode<synchronous>, transform_indices = @transform_4, window_bounds = array<i64: 1, 128>}, {transform_indices = @transform_5, window_bounds = array<i64: 1000, 128>}]} {
    %get3A = arith.constant 0 : index
    %get3A_0 = arith.constant 0 : index
    %get3A_1 = arith.constant 0 : index
    %get3A_2 = vector.load %arg1[%get3A, %get3A_0, %get3A_1] : memref<2x1000x128xf32, #tpu.memory_space<vmem>>, vector<2x1000x128xf32>
    %slice3A = vector.extract_strided_slice %get3A_2 {offsets = [0, 0, 0], sizes = [1, 1000, 128], strides = [1, 1, 1]} : vector<2x1000x128xf32> to vector<1x1000x128xf32>
    %squeeze3A = vector.shape_cast %slice3A : vector<1x1000x128xf32> to vector<1000x128xf32>
    %slice3A_3 = vector.extract_strided_slice %get3A_2 {offsets = [1, 0, 0], sizes = [1, 1000, 128], strides = [1, 1, 1]} : vector<2x1000x128xf32> to vector<1x1000x128xf32>
    %squeeze3A_4 = vector.shape_cast %slice3A_3 : vector<1x1000x128xf32> to vector<1000x128xf32>
    %add3A = arith.addf %squeeze3A, %squeeze3A_4 : vector<1000x128xf32>
    %get3A_5 = arith.constant 0 : index
    %get3A_6 = arith.constant 0 : index
    %get3A_7 = vector.load %arg2[%get3A_5, %get3A_6] : memref<1000x32xf32, #tpu.memory_space<vmem>>, vector<1000x32xf32>
    %reduce_sum3A = arith.constant dense<0.000000e+00> : vector<1000xf32>
    %reduce_sum3A_8 = vector.multi_reduction <add>, %get3A_7, %reduce_sum3A [1] : vector<1000x32xf32> to vector<1000xf32>
    %broadcast_in_dim3A = vector.shape_cast %reduce_sum3A_8 : vector<1000xf32> to vector<1000x1xf32>
    %add3A_9 = arith.constant 1.000000e-16 : f32
    %add3A_10 = vector.broadcast %add3A_9 : f32 to vector<1000x1xf32>
    %add3A_11 = arith.addf %broadcast_in_dim3A, %add3A_10 : vector<1000x1xf32>
    %div3A = vector.broadcast %add3A_11 : vector<1000x1xf32> to vector<1000x128xf32>
    %div3A_12 = arith.divf %add3A, %div3A : vector<1000x128xf32>
    %get3A_13 = arith.constant 0 : index
    %get3A_14 = arith.constant 0 : index
    %get3A_15 = vector.load %arg3[%get3A_13, %get3A_14] : memref<1000x128xf32, #tpu.memory_space<vmem>>, vector<1000x128xf32>
    %add3A_16 = arith.addf %div3A_12, %get3A_15 : vector<1000x128xf32>
    %get3A_17 = arith.constant 0 : index
    %get3A_18 = arith.constant 0 : index
    %get3A_19 = vector.load %arg4[%get3A_17, %get3A_18] : memref<1x128xf32, #tpu.memory_space<vmem>>, vector<1x128xf32>
    %get3A_20 = arith.constant 0 : index
    %get3A_21 = arith.constant 0 : index
    %get3A_22 = vector.load %arg5[%get3A_20, %get3A_21] : memref<1x128xf32, #tpu.memory_space<vmem>>, vector<1x128xf32>
    %reduce_sum3A_23 = arith.constant dense<0.000000e+00> : vector<1000xf32>
    %reduce_sum3A_24 = vector.multi_reduction <add>, %add3A_16, %reduce_sum3A_23 [1] : vector<1000x128xf32> to vector<1000xf32>
    %broadcast_in_dim3A_25 = vector.shape_cast %reduce_sum3A_24 : vector<1000xf32> to vector<1000x1xf32>
    %div3A_26 = arith.constant 1.280000e+02 : f32
    %div3A_27 = vector.broadcast %div3A_26 : f32 to vector<1000x1xf32>
    %div3A_28 = arith.divf %broadcast_in_dim3A_25, %div3A_27 : vector<1000x1xf32>
    %sub3A = vector.broadcast %div3A_28 : vector<1000x1xf32> to vector<1000x128xf32>
    %sub3A_29 = arith.subf %add3A_16, %sub3A : vector<1000x128xf32>
    %integer_pow3A = arith.mulf %sub3A_29, %sub3A_29 : vector<1000x128xf32>
    %reduce_sum3A_30 = arith.constant dense<0.000000e+00> : vector<1000xf32>
    %reduce_sum3A_31 = vector.multi_reduction <add>, %integer_pow3A, %reduce_sum3A_30 [1] : vector<1000x128xf32> to vector<1000xf32>
    %broadcast_in_dim3A_32 = vector.shape_cast %reduce_sum3A_31 : vector<1000xf32> to vector<1000x1xf32>
    %div3A_33 = arith.constant 1.280000e+02 : f32
    %div3A_34 = vector.broadcast %div3A_33 : f32 to vector<1000x1xf32>
    %div3A_35 = arith.divf %broadcast_in_dim3A_32, %div3A_34 : vector<1000x1xf32>
    %sub3A_36 = vector.broadcast %div3A_28 : vector<1000x1xf32> to vector<1000x128xf32>
    %sub3A_37 = arith.subf %add3A_16, %sub3A_36 : vector<1000x128xf32>
    %add3A_38 = arith.constant 9.99999974E-6 : f32
    %add3A_39 = vector.broadcast %add3A_38 : f32 to vector<1000x1xf32>
    %add3A_40 = arith.addf %div3A_35, %add3A_39 : vector<1000x1xf32>
    %sqrt3A = math.sqrt %add3A_40 : vector<1000x1xf32>
    %div3A_41 = vector.broadcast %sqrt3A : vector<1000x1xf32> to vector<1000x128xf32>
    %div3A_42 = arith.divf %sub3A_37, %div3A_41 : vector<1000x128xf32>
    %mul3A = vector.broadcast %get3A_19 : vector<1x128xf32> to vector<1000x128xf32>
    %mul3A_43 = arith.mulf %div3A_42, %mul3A : vector<1000x128xf32>
    %add3A_44 = vector.broadcast %get3A_22 : vector<1x128xf32> to vector<1000x128xf32>
    %add3A_45 = arith.addf %mul3A_43, %add3A_44 : vector<1000x128xf32>
    %swap3A = arith.constant 0 : index
    %swap3A_46 = arith.constant 0 : index
    %swap3A_47 = vector.load %arg6[%swap3A, %swap3A_46] : memref<1000x128xf32, #tpu.memory_space<vmem>>, vector<1000x128xf32>
    tpu.vector_store %arg6[%swap3A, %swap3A_46], %add3A_45 {strides = array<i32>} : memref<1000x128xf32, #tpu.memory_space<vmem>>, vector<1000x128xf32>,
    return
  }
  func.func @transform_0(%arg0: i32) -> (i32, i32, i32) {
    %c0_i32 = arith.constant 0 : i32
    %c0_i32_0 = arith.constant 0 : i32
    %c0_i32_1 = arith.constant 0 : i32
    return %c0_i32, %arg0, %c0_i32_0 : i32, i32, i32
  }
  func.func @transform_1(%arg0: i32) -> (i32, i32) {
    %c0_i32 = arith.constant 0 : i32
    %c0_i32_0 = arith.constant 0 : i32
    return %arg0, %c0_i32 : i32, i32
  }
  func.func @transform_2(%arg0: i32) -> (i32, i32) {
    %c0_i32 = arith.constant 0 : i32
    %c0_i32_0 = arith.constant 0 : i32
    return %arg0, %c0_i32 : i32, i32
  }
  func.func @transform_3(%arg0: i32) -> (i32, i32) {
    %c0_i32 = arith.constant 0 : i32
    %c0_i32_0 = arith.constant 0 : i32
    %c0_i32_1 = arith.constant 0 : i32
    return %c0_i32, %c0_i32_0 : i32, i32
  }
  func.func @transform_4(%arg0: i32) -> (i32, i32) {
    %c0_i32 = arith.constant 0 : i32
    %c0_i32_0 = arith.constant 0 : i32
    %c0_i32_1 = arith.constant 0 : i32
    return %c0_i32, %c0_i32_0 : i32, i32
  }
  func.func @transform_5(%arg0: i32) -> (i32, i32) {
    %c0_i32 = arith.constant 0 : i32
    %c0_i32_0 = arith.constant 0 : i32
    return %arg0, %c0_i32 : i32, i32
  }
}

</mosaic_0001>

<sc_bundles>
// kernel: kernel.10.cloned.1.call-start
scs
__scs_entry_jumppad:
0x0: {  	(pc) =	sbr.rel $0x88, $3  }
0x1: {  	(tag) =	ssettag $0x0;
	lr =	simm.s32 $0x1  }
0x2: {  	[smem:$0x3F8C] =	sst lr;
	_ =	strace $0xD0000000  }
0x3: {  	_ = 	snop  }
0x4: {  	_ = 	snop  }
0x5: {  	_ = 	snop  }
0x6: {  	_ = 	snop  }
0x7: {  	_ = 	snop  }
__scs_overlays_trampoline_lowered:
0x8: {  	[smem:$0x3F9B] =	sst s0  }
0x9: {  	[smem:$0x3F9C] =	sst s1  }
0xa: {  	[smem:$0x3F9D] =	sst s2  }
0xb: {  	[smem:$0x3F9E] =	sst s3  }
0xc: {  	[smem:$0x3F9F] =	sst s4  }
0xd: {  	[smem:$0x3FA0] =	sst s5  }
0xe: {  	[smem:$0x3FA1] =	sst s6  }
0xf: {  	[smem:$0x3FA2] =	sst s7  }
0x10: {  	[smem:$0x3FA3] =	sst s8  }
0x11: {  	[smem:$0x3FA4] =	sst s9;
	s0 =	simm.s32 @!p0 $0x0  }
0x12: {  	s1 =	sld [smem:$0x3F8A];
	s0 =	simm.s32 @p0 $0x1  }
0x13: {  	[smem:$0x3FA5] =	sst s0;
	s0 =	simm.s32 @!p1 $0x0  }
0x14: {  	s2 =	sld [smem:$0x3F89];
	s0 =	simm.s32 @p1 $0x1  }
0x15: {  	[smem:$0x3FA6] =	sst s0;
	s0 =	simm.s32 @!p2 $0x0  }
0x16: {  	s3 =	sld [smem:$0x3FDB];
	s0 =	simm.s32 @p2 $0x1  }
0x17: {  	s4 =	simm.s32 $0x1BF5;
	[smem:$0x3FA8] =	sst s0  }
0x18: {  	s0 =	sld [smem:$0x3F8B];
	_ =	swait.ge [sflag:s4], $0x0  }
0x19: {  	s7 =	sld [smem:$0x3F8C]  }
0x1a: {  	s8 =	sadd.s32 $0xFFFFE003, lr  }
0x1b: {  	s9 =	sadd.s32 $0xFFFFFEF7, lr;
	s5 =	simm.s32 $0xFFFFFFFF;
	p2 =	slt.u32 s8, $0xFFFFF086  }
0x1c: {  	p1 =	slt.u32 s9, $0xF7A;
	s5 =	simm.s32 @!p2 $0x0  }
0x1d: {  	s5 =	simm.s32 @p1 $0x1;
	p0 =	seq.s32 s7, s2  }
0x1e: {  	s7 =	smul.u32 @!p0 $0xF7A, s2;
	p2 =	seq.s32 @!p0 s5, $0x0  }
0x1f: {  	s9 =	smul.u32 $0xF7A, s1;
	s8 =	simm.s32 @!p0 $0x1BF5;
	p2 =	por !p2, p0  }
0x20: {  	[sflag:s8] =	ssyncset.s32 @!p0 $0xFFFFF086;
	s6 =	sadd.s32 @!p0 s3, s7;
	s7 =	simm.s32 @!p0 $0x108  }
0x21: {  	s3 =	sadd.s32 s3, s9;
	s6 =	sadd.s32 @!p0 $0x88, s6;
	s7 =	simm.s32 @p2 $0x1082  }
0x22: {  	[simem:s7], [sflag:s8] =	dma.local @!p0 [hbm:s6], $0xF7A  }
0x23: {  	s9 =	sor.u32 $0xD0000000, s2;
	s6 =	simm.s32 $0x108;
	_ =	swait.ge @!p0 [sflag:s8], $0x0  }
0x24: {  	s3 =	sadd.s32 $0x88, s3;
	s6 =	simm.s32 @!p1 $0x1082;
	[sflag:s4] =	ssyncset.s32 $0xFFFFF086  }
0x25: {  	[simem:s6], [sflag:s4] =	dma.local [hbm:s3], $0xF7A  }
0x26: {  	[smem:$0x3F8C] =	sst s1;
	(tag) =	ssettag s2;
	_ =	strace s9  }
0x27: {  	s1 =	sld [smem:$0x3F9C]  }
0x28: {  	s2 =	sld [smem:$0x3F9D]  }
0x29: {  	s4 =	sld [smem:$0x3F9F]  }
0x2a: {  	p0 =	seq.s32 s5, $0x0;
	s5 =	sld [smem:$0x3FA0]  }
0x2b: {  	s6 =	sld [smem:$0x3FA1]  }
0x2c: {  	s7 =	sld [smem:$0x3FA2]  }
0x2d: {  	s3 =	simm.s32 $0x108;
	s8 =	sld [smem:$0x3FA3]  }
0x2e: {  	s3 =	simm.s32 @!p0 $0x1082;
	s9 =	sld [smem:$0x3FA4]  }
0x2f: {  	lr =	sadd.s32 s0, s3;
	s0 =	sld [smem:$0x3F9B]  }
0x30: {  	s3 =	sld [smem:$0x3F9E]  }
0x31: {  	[smem:$0x3FA7] =	sst s10  }
0x32: {  	s10 =	sld [smem:$0x3FA5];
	_ =	sdelay $0x3  }
0x33: {  	p0 =	seq.s32 s10, $0x1;
	s10 =	sld [smem:$0x3FA7];
	_ =	sdelay $0x3  }
0x34: {  	[smem:$0x3FA7] =	sst s10  }
0x35: {  	s10 =	sld [smem:$0x3FA6];
	_ =	sdelay $0x3  }
0x36: {  	p1 =	seq.s32 s10, $0x1;
	s10 =	sld [smem:$0x3FA7];
	_ =	sdelay $0x3  }
0x37: {  	[smem:$0x3FA7] =	sst s10  }
0x38: {  	s10 =	sld [smem:$0x3FA8]  }
0x39: {  	_ = 	snop;
	(pc) =	sbr.ind lr, $3  }
0x3a: {  	_ = 	snop  }
0x3b: {  	_ = 	snop  }
0x3c: {  	p2 =	seq.s32 s10, $0x1;
	s10 =	sld [smem:$0x3FA7]  }
0x3d: {  	_ =	shalt  }
0x3e: {  	_ =	shalt  }
0x3f: {  	_ =	shalt  }
0x40: {  	_ =	shalt  }
0x41: {  	_ =	shalt  }
0x42: {  	_ =	shalt  }
0x43: {  	_ =	shalt  }
0x44: {  	_ =	shalt  }
0x45: {  	_ =	shalt  }
0x46: {  	_ =	shalt  }
0x47: {  	_ =	shalt  }
0x48: {  	_ =	shalt  }
0x49: {  	_ =	shalt  }
0x4a: {  	_ =	shalt  }
0x4b: {  	_ =	shalt  }
0x4c: {  	_ =	shalt  }
0x4d: {  	_ =	shalt  }
0x4e: {  	_ =	shalt  }
0x4f: {  	_ =	shalt  }
0x50: {  	_ =	shalt  }
0x51: {  	_ =	shalt  }
0x52: {  	_ =	shalt  }
0x53: {  	_ =	shalt  }
0x54: {  	_ =	shalt  }
0x55: {  	_ =	shalt  }
0x56: {  	_ =	shalt  }
0x57: {  	_ =	shalt  }
0x58: {  	_ =	shalt  }
0x59: {  	_ =	shalt  }
0x5a: {  	_ =	shalt  }
0x5b: {  	_ =	shalt  }
0x5c: {  	_ =	shalt  }
0x5d: {  	_ =	shalt  }
0x5e: {  	_ =	shalt  }
0x5f: {  	_ =	shalt  }
0x60: {  	_ =	shalt  }
0x61: {  	_ =	shalt  }
0x62: {  	_ =	shalt  }
0x63: {  	_ =	shalt  }
0x64: {  	_ =	shalt  }
0x65: {  	_ =	shalt  }
0x66: {  	_ =	shalt  }
0x67: {  	_ =	shalt  }
0x68: {  	_ =	shalt  }
0x69: {  	_ =	shalt  }
0x6a: {  	_ =	shalt  }
0x6b: {  	_ =	shalt  }
0x6c: {  	_ =	shalt  }
0x6d: {  	_ =	shalt  }
0x6e: {  	_ =	shalt  }
0x6f: {  	_ =	shalt  }
0x70: {  	_ =	shalt  }
0x71: {  	_ =	shalt  }
0x72: {  	_ =	shalt  }
0x73: {  	_ =	shalt  }
0x74: {  	_ =	shalt  }
0x75: {  	_ =	shalt  }
0x76: {  	_ =	shalt  }
0x77: {  	_ =	shalt  }
0x78: {  	_ =	shalt  }
0x79: {  	_ =	shalt  }
0x7a: {  	_ =	shalt  }
0x7b: {  	_ =	shalt  }
0x7c: {  	_ =	shalt  }
0x7d: {  	_ =	shalt  }
0x7e: {  	_ =	shalt  }
0x7f: {  	_ =	shalt  }
0x80: {  	_ =	shalt  }
0x81: {  	_ =	shalt  }
0x82: {  	_ =	shalt  }
0x83: {  	_ =	shalt  }
0x84: {  	_ =	shalt  }
0x85: {  	_ =	shalt  }
0x86: {  	_ =	shalt  }
0x87: {  	_ =	shalt  }
.Lfunc_end0:
.L_simem_size_0:
called_computation.1_lowered:
.L_overlay_start_0:
0x88: {  	s2 =	sld [smem:$0x3FD9]  }
0x89: {  	s3 =	sld [smem:$0x3FFE];
	_ =	sdelay $0x1  }
0x8a: {  	s1 =	srdreg.scid  }
0x8b: {  	s0 =	sand.u32 $0x1, s1  }
0x8c: {  	s17 =	sshll.u32 s0, $0xA;
	s2 =	sadd.s32 s3, s2  }
0x8d: {  	s2 =	sadd.s32 s2, s17  }
0x8e: {  	[smem:$0x3FB3] =	sst s2  }
0x8f: {  	_ = 	snop  }
0x90: {  	s2 =	sld [smem:$0x3FD0];
	(tm) =	ssettm $0x1  }
0x91: {  	s18 =	sld [smem:$0x3FFB];
	_ =	sdelay $0x3  }
0x92: {  	_ =	strace s18  }
0x93: {  	s3 =	sld [smem:$0x3FFC];
	_ =	sdelay $0x3  }
0x94: {  	_ =	strace s3  }
0x95: {  	s3 =	sld [smem:$0x3FFD];
	_ =	sdelay $0x3  }
0x96: {  	_ =	strace s3  }
0x97: {  	_ =	strace $0x8FFFFFFF  }
0x98: {  	s19 =	sld [smem:$0x3FDB];
	_ =	sdelay $0x1  }
0x99: {  	s4 =	simm.s32 $_scs_section_size  }
0x9a: {  	s5 =	simm.s32 $_size__tile_overlayer_lowered;
	s6 =	simm.s32 $_tile_overlayer_lowered  }
0x9b: {  	s22 =	simm.s32 $0x1BFF;
	s21 =	sshll.u32 s6, $0x1;
	s3 =	sadd.s32 s4, s19  }
0x9c: {  	s7 =	simm.s32 $0x0;
	s20 =	sshll.u32 s5, $0x1;
	s5 =	sadd.s32 s21, s3  }
0x9d: {  	[timem:s7], [sflag:s22] =	dma.local [hbm:s5], s20  }
0x9e: {  	_ =	swait.ge [sflag:s22], s20  }
0x9f: {  	s4 =	ssub.s32 $0x0, s20;
	[sflag:s22] =	ssyncset.done $0x0  }
0xa0: {  	[sflag:s22] =	ssyncadd.s32 s4;
	_ =	sdelay $0x1  }
0xa1: {  	s23 =	simm.s32 $0x1B8B  }
0xa2: {  	_ =	swait.ge [sflag:s23], $0x1  }
0xa3: {  	[sflag:s23] =	ssyncset.done $0x0  }
0xa4: {  	s25 =	simm.s32 $0x1B8E;
	s24 =	sld [smem:$0x3FFE];
	[sflag:s23] =	ssyncadd.s32 $0xFFFFFFFF  }
0xa5: {  	s26 =	simm.s32 $execute0_lowered;
	[smem:$0x3FD2] =	sst s25  }
0xa6: {  	s5 =	sshll.u32 s26, $0x1;
	_ =	strace $0x80000049;
	[dreg:$0x1] =	wrdreg $0xFFFFFFFF  }
0xa7: {  	s28 =	simm.s32 $_size_execute0_lowered;
	s3 =	sadd.s32 s3, s5;
	[dreg:$0x0] =	wrdreg $0x0  }
0xa8: {  	s5 =	sshll.u32 s28, $0x1;
	[dreg:$0x2] =	wrdreg s3  }
0xa9: {  	[dreg:$0x3] =	wrdreg s5  }
0xaa: {  	[dreg:$0x4] =	wrdreg $0xC0  }
0xab: {  	_ =	task [dreg:s7], $0x5FFFF  }
0xac: {  	[dreg:$0x1] =	wrdreg $0xFFFFFFFF  }
0xad: {  	[dreg:$0x0] =	wrdreg $0x60  }
0xae: {  	[dreg:$0x2] =	wrdreg s24  }
0xaf: {  	[dreg:$0x3] =	wrdreg s2  }
0xb0: {  	[dreg:$0x4] =	wrdreg $0x79800  }
0xb1: {  	[dreg:$0x5] =	wrdreg $0x9  }
0xb2: {  	_ =	task.clear_ibuf [dreg:s7], $0x6FFFF;
	_ =	strace $0x90000049  }
0xb3: {  	s29 =	simm.s32 $0x9;
	_ =	strace $0x8000004B  }
0xb4: {  	_ =	swait.ge [sflag:s29], $0x1  }
0xb5: {  	[sflag:s29] =	ssyncadd.s32 $0xFFFFFFFF  }
0xb6: {  	_ =	strace $0x9000004B  }
0xb7: {  	_ =	sfence  }
0xb8: {  	s30 =	sld [smem:$0x0];
	_ =	sdelay $0x2  }
0xb9: {  	s31 =	sshll.u32 s1, $0xD;
	s1 =	sshrl.u32 s1, $0x2  }
0xba: {  	s3 =	sand.u32 $0x4000, s31;
	s1 =	sadd.s32 s1, s30  }
0xbb: {  	s0 =	sor.u32 s3, s0;
	s1 =	sshll.u32 s1, $0x11  }
0xbc: {  	s0 =	sor.u32 s1, s0  }
0xbd: {  	s0 =	sadd.s32 $0x8F2B, s0  }
0xbe: {  	[sflag:s0] =	ssyncadd.remote.s32 $0x1  }
0xbf: {  	_ =	sfence.sel $0xFFFF  }
0xc0: {  	[dreg:$0x0] =	wrdreg $0xFFFFFFFF;
	(pc) =	sbr.abs _section_cstart, $3  }
0xc1: {  	[dreg:$0x1] =	wrdreg $0xFFFFFFFF  }
0xc2: {  	_ =	task.clear_ibuf [dreg:s7], $0x2FFFF;
	_ =	strace $0x9FFFFFFF  }
0xc3: {  	(tm) =	ssettm $0x7FFFFFFF  }
tec
execute0_lowered:
.L_overlay_start_1:
0x0: {  	(tag) =	ssettag $0x1  }
0x1: {  	s0 =	rddreg [dreg:$0x0]  }
0x2: {  	s3 =	rddreg [dreg:$0x1]  }
0x3: {  	s1 =	rddreg [dreg:$0x2]  }
0x4: {  	s4 =	srdreg.scid;
	s6 =	stileid.u32;
	s2 =	simm.s32 $0x0  }
0x5: {  	s28 =	simm.s32 $0x3;
	s29 =	simm.s32 $0x5;
	s30 =	simm.s32 $0x50  }
0x6: {  	s31 =	simm.s32 $0x5200;
	s4 =	sand.u32 $0x1, s4;
	s5 =	sshll.u32 s6, $0x1  }
0x7: {  	[smem:$0x7FF] =	sst s2;
	s7 =	sshrl.u32 s6, $0x2;
	s9 =	sadd.s32 $0x1E1CC00, s0  }
0x8: {  	s15 =	sadd.s32 $0xD600, s0;
	s19 =	sadd.s32 $0x3800, s0;
	s11 =	smul.u32 $0x4E000, s6  }
0x9: {  	s10 =	sadd.s32 $0x21200, s0;
	s12 =	smul.u32 $0x13800, s6;
	s25 =	sshll.u32 s6, $0x6  }
0xa: {  	s13 =	sadd.s32 $0x138000, s1;
	p0 =	sne.s32 s6, $0x0;
	s5 =	sor.u32 s4, s5  }
0xb: {  	_ =	strace $0x8000004A;
	s7 =	smul.u32 $0x13C00, s7;
	s18 =	ssub.s32 $0x2, s4  }
0xc: {  	[dreg:$0x6] =	wrdreg s13;
	s17 =	smul.u32 $0x138800, s4;
	s8 =	sshll.u32 s5, $0x7  }
0xd: {  	s20 =	sshrl.u32 s18, $0x1;
	s21 =	sshrl.u32 s11, $0x2;
	s22 =	smul.u32 $0x2710, s5  }
0xe: {  	s24 =	sshrl.u32 s12, $0x3;
	s8 =	sand.u32 $0x380, s8;
	s23 =	sadd.s32 s21, s1  }
0xf: {  	s5 =	sadd.s32 s3, s24;
	s3 =	sadd.s32 $0x27000, s3;
	s21 =	sadd.s32 s12, s17  }
0x10: {  	s11 =	sshrl.u32 s17, $0x3;
	s7 =	sor.u32 s7, s8;
	[dreg:$0x4] =	wrdreg s23  }
0x11: {  	[dreg:$0x5] =	wrdreg s5;
	s5 =	sor.u32 $0x1C07, s25;
	s26 =	sadd.s32 $0x26C0, s22  }
0x12: {  	[dreg:$0x7] =	wrdreg s3;
	s22 =	sadd.s32 s10, s11;
	s7 =	sshrl.u32 s7, $0x3  }
0x13: {  	s14 =	sshrl.u32 s26, $0x3;
	s8 =	sshll.u32 s26, $0x4;
	s12 =	sadd.s32 $0x27000, s22  }
0x14: {  	s22 =	simm.s32 $0x200;
	s0 =	sadd.s32 s7, s0;
	s7 =	ssub.s32 s18, s20  }
0x15: {  	s16 =	sadd.s32 s19, s14;
	s3 =	sadd.s32 s15, s14;
	s20 =	smul.u32 $0x4E200, s6  }
0x16: {  	s18 =	sadd.s32 s9, s8;
	s14 =	smul.u32 $0x4E20, s6;
	[dreg:$0x8] =	wrdreg s16  }
0x17: {  	s8 =	sshrl.u32 s21, $0x3;
	s21 =	simm.s32 $0x100;
	[dreg:$0x9] =	wrdreg s3  }
0x18: {  	s6 =	simm.s32 $0x0;
	[dreg:$0xa] =	wrdreg s18;
	s16 =	smul.u32 $0x2710, s4  }
0x19: {  	s8 =	sadd.s32 s10, s8;
	s4 =	smul.u32 $0x27100, s4;
	s13 =	sadd.s32 $0x17400, s0  }
0x1a: {  	[dreg:$0xb] =	wrdreg s8;
	s23 =	sadd.s32 s20, s9;
	s20 =	simm.s32 $0x7  }
0x1b: {  	s24 =	sadd.s32 s16, s14;
	s14 =	smax.u32 s7, $0x1;
	s0 =	sadd.s32 s4, s23  }
0x1c: {  	s23 =	simm.s32 $0x80;
	s4 =	simm.s32 $0x6;
	s25 =	sadd.s32 $0x50, s24  }
0x1d: {  	s10 =	sadd.s32 $0x500, s0;
	s3 =	sshrl.u32 s24, $0x3;
	s24 =	simm.s32 $0x180  }
0x1e: {  	s0 =	simm.s32 $0x2;
	s26 =	sshrl.u32 s25, $0x3;
	s18 =	sadd.s32 s3, s15  }
0x1f: {  	s25 =	simm.s32 $0x2A00;
	s16 =	sadd.s32 s26, s15;
	s17 =	sadd.s32 s26, s19  }
0x20: {  	v0 =	vimm.f32 $0.0e+00;
	s19 =	sadd.s32 s3, s19;
	s26 =	simm.s32 $0x1;
	s3 =	simm.s32 $0x4  }
.LBB2_1:
0x21: {  	s7 =	rddreg [dreg:$0x4]  }
0x22: {  	s8 =	rddreg [dreg:$0x5];
	s7 =	sshrl.u32 s7, $0x3  }
0x23: {  	[spmem:s7], [sflag:s5] =	dma.local [hbm:s8], $0x2700  }
0x24: {  	_ =	swait.ge [sflag:s20], $0x2700  }
0x25: {  	[sflag:s20] =	ssyncset.done $0x0;
	s8 =	rddreg [dreg:$0x6]  }
0x26: {  	s9 =	rddreg [dreg:$0x7];
	[sflag:s20] =	ssyncadd.s32 $0xFFFFD900;
	s8 =	sshrl.u32 @!p0 s8, $0x3  }
0x27: {  	[spmem:s8], [sflag:s5] =	dma.local @!p0 [hbm:s9], $0x100  }
0x28: {  	s9 =	simm.s32 @!p0 $0x7  }
0x29: {  	_ =	swait.ge @!p0 [sflag:s9], $0x100  }
0x2a: {  	[sflag:s9] =	ssyncset.done @!p0 $0x0  }
0x2b: {  	s15 =	simm.s32 $0x0;
	[sflag:s9] =	ssyncadd.s32 @!p0 $0xFFFFFF00;
	s9 =	simm.s32 $0x40  }
.LBB2_2:
0x2c: {  	p1 =	sne.s32 s9, $0x9C00;
	[tilespmem:s15+$0x5200] =	vst v0;
	s15 =	smov.u32 s9;
	s9 =	sadd.s32 $0x40, s9  }
.Ltmp0:
0x2d: {  	(pc) =	sbr.rel @p1 .LBB2_2-.Ltmp0, $2  }
0x2e: {  	_ =	sdelay $0x2  }
0x2f: {  	s15 =	sshra.s32 s15, $0x2  }
0x30: {  	[tilespmem:s15+$0x5200] =	vst v0  }
0x31: {  	s9 =	simm.s32 $0x0;
	s15 =	smov.u32 s10;
	[bflag:$0x0] =	sbarrier.arrive $0xFFFF  }
.LBB2_4:
0x32: {  	s11 =	sadd.s32 s9, s19  }
0x33: {  	[tilespmem:s2], [sflag:$0x1] =	stream.linear.gather [hbm4b:s11+s2], $0x50, $0x38;
	[tilespmem:$0x1B200] =	vst v63  }
0x34: {  	s11 =	sadd.s32 s9, s18  }
0x35: {  	[tilespmem:s21], [sflag:$0x3] =	stream.linear.gather [hbm4b:s11+s2], $0x50, $0x38;
	[tilespmem:$0x1B200] =	vst v63  }
0x36: {  	s11 =	sadd.s32 $0xFFFFFB00, s15  }
0x37: {  	[tilespmem:s22], [sflag:$0x5] =	stream.linear.gather [hbm4b:s11+s2], $0x2800, $0x38;
	[tilespmem:$0x1B200] =	vst v63  }
0x38: {  	s11 =	sadd.s32 s9, s17  }
0x39: {  	[tilespmem:s23], [sflag:$0x2] =	stream.linear.gather [hbm4b:s11+s2], $0x50, $0x38;
	[tilespmem:$0x1B200] =	vst v63  }
0x3a: {  	s11 =	sadd.s32 s9, s16  }
0x3b: {  	[tilespmem:s24], [sflag:$0x4] =	stream.linear.gather [hbm4b:s11+s2], $0x50, $0x38;
	[tilespmem:$0x1B200] =	vst v63  }
0x3c: {  	_ = 	snop  }
0x3d: {  	[tilespmem:s25], [sflag:$0x6] =	stream.linear.gather [hbm4b:s15+s2], $0x2800, $0x38;
	[tilespmem:$0x1B200] =	vst v63  }
0x3e: {  	_ =	swait.ge [sflag:s26], $0x50  }
0x3f: {  	[sflag:s26] =	ssyncset.done $0x0  }
0x40: {  	[sflag:s26] =	ssyncadd.s32 $0xFFFFFFB0  }
0x41: {  	_ =	swait.ge [sflag:s28], $0x50  }
0x42: {  	[sflag:s28] =	ssyncset.done $0x0  }
0x43: {  	[sflag:s28] =	ssyncadd.s32 $0xFFFFFFB0  }
0x44: {  	_ =	swait.ge [sflag:s29], $0x2800  }
0x45: {  	[sflag:s29] =	ssyncset.done $0x0  }
0x46: {  	[sflag:s29] =	ssyncadd.s32 $0xFFFFD800  }
0x47: {  	[spmem:s1] =	stream.indirect.scatter.add.f32 [tilespmem:s22], [sflag:$0x7], $0x80, s2, s30, $0xb8;
	[tilespmem:$0x1B200] =	vst v63  }
0x48: {  	_ =	swait.ge [sflag:s20], $0x2800  }
0x49: {  	[sflag:s20] =	ssyncset.done $0x0  }
0x4a: {  	[sflag:s20] =	ssyncadd.s32 $0xFFFFD800  }
0x4b: {  	v1 =	vld [tilespmem:$0x0];
	_ =	sdelay $0x2  }
0x4c: {  	v2 =	vld [tilespmem:$0x100];
	_ =	sdelay $0x4  }
0x4d: {  	[tilespmem:v1+s31+$0x0] =	vst.idx.add.f32.msk $0xffff, v2  }
0x4e: {  	v1 =	vld [tilespmem:$0x10];
	_ =	sdelay $0x2  }
0x4f: {  	v2 =	vld [tilespmem:$0x110];
	_ =	sdelay $0x4  }
0x50: {  	[tilespmem:v1+s31+$0x0] =	vst.idx.add.f32.msk $0xffff, v2  }
0x51: {  	v1 =	vld [tilespmem:$0x20];
	_ =	sdelay $0x2  }
0x52: {  	v2 =	vld [tilespmem:$0x120];
	_ =	sdelay $0x4  }
0x53: {  	[tilespmem:v1+s31+$0x0] =	vst.idx.add.f32.msk $0xffff, v2  }
0x54: {  	v1 =	vld [tilespmem:$0x30];
	_ =	sdelay $0x2  }
0x55: {  	v2 =	vld [tilespmem:$0x130];
	_ =	sdelay $0x4  }
0x56: {  	[tilespmem:v1+s31+$0x0] =	vst.idx.add.f32.msk $0xffff, v2  }
0x57: {  	v1 =	vld [tilespmem:$0x40];
	_ =	sdelay $0x2  }
0x58: {  	v2 =	vld [tilespmem:$0x140];
	_ =	sdelay $0x4  }
0x59: {  	[tilespmem:v1+s31+$0x0] =	vst.idx.add.f32.msk $0xffff, v2  }
0x5a: {  	_ =	swait.ge [sflag:s0], $0x50  }
0x5b: {  	[sflag:s0] =	ssyncset.done $0x0  }
0x5c: {  	[sflag:s0] =	ssyncadd.s32 $0xFFFFFFB0  }
0x5d: {  	_ =	swait.ge [sflag:s3], $0x50  }
0x5e: {  	[sflag:s3] =	ssyncset.done $0x0  }
0x5f: {  	[sflag:s3] =	ssyncadd.s32 $0xFFFFFFB0  }
0x60: {  	_ =	swait.ge [sflag:s4], $0x2800  }
0x61: {  	[sflag:s4] =	ssyncset.done $0x0  }
0x62: {  	[sflag:s4] =	ssyncadd.s32 $0xFFFFD800  }
0x63: {  	[spmem:s1] =	stream.indirect.scatter.add.f32 [tilespmem:s25], [sflag:$0x7], $0x80, s23, s30, $0xb8;
	[tilespmem:$0x1B200] =	vst v63  }
0x64: {  	_ =	swait.ge [sflag:s20], $0x2800  }
0x65: {  	[sflag:s20] =	ssyncset.done $0x0  }
0x66: {  	[sflag:s20] =	ssyncadd.s32 $0xFFFFD800  }
0x67: {  	v1 =	vld [tilespmem:$0x80];
	_ =	sdelay $0x2  }
0x68: {  	v2 =	vld [tilespmem:$0x180];
	_ =	sdelay $0x4  }
0x69: {  	[tilespmem:v1+s31+$0x0] =	vst.idx.add.f32.msk $0xffff, v2  }
0x6a: {  	v1 =	vld [tilespmem:$0x90];
	_ =	sdelay $0x2  }
0x6b: {  	v2 =	vld [tilespmem:$0x190];
	_ =	sdelay $0x4  }
0x6c: {  	[tilespmem:v1+s31+$0x0] =	vst.idx.add.f32.msk $0xffff, v2  }
0x6d: {  	v1 =	vld [tilespmem:$0xA0];
	_ =	sdelay $0x2  }
0x6e: {  	v2 =	vld [tilespmem:$0x1A0];
	_ =	sdelay $0x4  }
0x6f: {  	[tilespmem:v1+s31+$0x0] =	vst.idx.add.f32.msk $0xffff, v2  }
0x70: {  	v1 =	vld [tilespmem:$0xB0];
	_ =	sdelay $0x2  }
0x71: {  	v2 =	vld [tilespmem:$0x1B0];
	_ =	sdelay $0x4  }
0x72: {  	[tilespmem:v1+s31+$0x0] =	vst.idx.add.f32.msk $0xffff, v2  }
0x73: {  	v1 =	vld [tilespmem:$0xC0];
	_ =	sdelay $0x2  }
0x74: {  	p1 =	sne.s32 s9, $0x4C4;
	v2 =	vld [tilespmem:$0x1C0]  }
.Ltmp1:
0x75: {  	_ = 	snop;
	(pc) =	sbr.rel @p1 .LBB2_4-.Ltmp1, $2  }
0x76: {  	_ =	sdelay $0x2  }
0x77: {  	s9 =	sadd.s32 $0x14, s9;
	s15 =	sadd.s32 $0xA00, s15;
	[tilespmem:v1+s31+$0x0] =	vst.idx.add.f32.msk $0xffff, v2  }
0x78: {  	s9 =	rddreg [dreg:$0x8]  }
0x79: {  	[tilespmem:s2], [sflag:$0x1] =	stream.linear.gather [hbm4b:s9+s2], $0x50, $0x38;
	[tilespmem:$0x1B200] =	vst v63  }
0x7a: {  	s11 =	rddreg [dreg:$0x9]  }
0x7b: {  	[tilespmem:s21], [sflag:$0x3] =	stream.linear.gather [hbm4b:s11+s2], $0x50, $0x38;
	[tilespmem:$0x1B200] =	vst v63  }
0x7c: {  	s15 =	rddreg [dreg:$0xa]  }
0x7d: {  	[tilespmem:s22], [sflag:$0x5] =	stream.linear.gather [hbm4b:s15+s2], $0x2800, $0x38;
	[tilespmem:$0x1B200] =	vst v63  }
0x7e: {  	_ =	swait.ge [sflag:s26], $0x50  }
0x7f: {  	[sflag:s26] =	ssyncset.done $0x0  }
0x80: {  	[sflag:s26] =	ssyncadd.s32 $0xFFFFFFB0  }
0x81: {  	_ =	swait.ge [sflag:s28], $0x50  }
0x82: {  	[sflag:s28] =	ssyncset.done $0x0  }
0x83: {  	[sflag:s28] =	ssyncadd.s32 $0xFFFFFFB0  }
0x84: {  	_ =	swait.ge [sflag:s29], $0x2800  }
0x85: {  	[sflag:s29] =	ssyncset.done $0x0  }
0x86: {  	[sflag:s29] =	ssyncadd.s32 $0xFFFFD800  }
0x87: {  	[spmem:s1] =	stream.indirect.scatter.add.f32 [tilespmem:s22], [sflag:$0x7], $0x80, s2, s30, $0xb8;
	[tilespmem:$0x1B200] =	vst v63  }
0x88: {  	_ =	swait.ge [sflag:s20], $0x2800  }
0x89: {  	[sflag:s20] =	ssyncset.done $0x0  }
0x8a: {  	[sflag:s20] =	ssyncadd.s32 $0xFFFFD800  }
0x8b: {  	v1 =	vld [tilespmem:$0x0];
	_ =	sdelay $0x2  }
0x8c: {  	v2 =	vld [tilespmem:$0x100];
	_ =	sdelay $0x4  }
0x8d: {  	[tilespmem:v1+s31+$0x0] =	vst.idx.add.f32.msk $0xffff, v2  }
0x8e: {  	v1 =	vld [tilespmem:$0x10];
	_ =	sdelay $0x2  }
0x8f: {  	v2 =	vld [tilespmem:$0x110];
	_ =	sdelay $0x4  }
0x90: {  	[tilespmem:v1+s31+$0x0] =	vst.idx.add.f32.msk $0xffff, v2  }
0x91: {  	v1 =	vld [tilespmem:$0x20];
	_ =	sdelay $0x2  }
0x92: {  	v2 =	vld [tilespmem:$0x120];
	_ =	sdelay $0x4  }
0x93: {  	[tilespmem:v1+s31+$0x0] =	vst.idx.add.f32.msk $0xffff, v2  }
0x94: {  	v1 =	vld [tilespmem:$0x30];
	_ =	sdelay $0x2  }
0x95: {  	v2 =	vld [tilespmem:$0x130];
	_ =	sdelay $0x4  }
0x96: {  	[tilespmem:v1+s31+$0x0] =	vst.idx.add.f32.msk $0xffff, v2  }
0x97: {  	v1 =	vld [tilespmem:$0x40];
	_ =	sdelay $0x2  }
0x98: {  	v2 =	vld [tilespmem:$0x140];
	_ =	sdelay $0x4  }
0x99: {  	[tilespmem:v1+s31+$0x0] =	vst.idx.add.f32.msk $0xffff, v2  }
0x9a: {  	[bflag:$0x0] =	sbarrier.arrive $0xFFFF  }
0x9b: {  	s11 =	rddreg [dreg:$0xb]  }
0x9c: {  	[hbm:s11], [sflag:s5] =	dma.local [spmem:s7], $0x2700  }
0x9d: {  	_ =	swait.ge [sflag:s20], $0x2700  }
0x9e: {  	[sflag:s20] =	ssyncset.done $0x0  }
0x9f: {  	s7 =	simm.s32 @!p0 $0x7;
	[sflag:s20] =	ssyncadd.s32 $0xFFFFD900  }
0xa0: {  	[hbm:s12], [sflag:s5] =	dma.local @!p0 [spmem:s8], $0x100  }
0xa1: {  	s6 =	sadd.s32 $0x1, s6;
	_ =	swait.ge @!p0 [sflag:s7], $0x100  }
0xa2: {  	p1 =	sne.s32 s6, s14;
	[sflag:s7] =	ssyncset.done @!p0 $0x0  }
.Ltmp2:
0xa3: {  	s15 =	simm.s32 $0x400;
	[sflag:s7] =	ssyncadd.s32 @!p0 $0xFFFFFF00;
	(pc) =	sbr.rel @p1 .LBB2_1-.Ltmp2, $4  }
0xa4: {  	[hbm4b:s13+s23] =	stream.strided.scatter [tilespmem:s31], [sflag:$0x7], $0x2780, s15, s23, $0x38;
	[tilespmem:$0x1B200] =	vst v63  }
0xa5: {  	_ =	swait.ge [sflag:s20], $0x2780  }
0xa6: {  	[sflag:s20] =	ssyncset.done $0x0  }
0xa7: {  	[sflag:s20] =	ssyncadd.s32 $0xFFFFD880  }
0xa8: {  	_ =	sfence.sel $0x180000  }
0xa9: {  	[bflag:$0x0] =	sbarrier.arrive $0xFFFF  }
0xaa: {  	_ =	strace $0x9000004A  }
0xab: {  	[bflag:$0x2] =	sbarrier.arrive $0xFFFF  }
0xac: {  	s0 =	rddreg [dreg:$0x3]  }
0xad: {  	s0 =	sadd.s32 @!p0 $0x100000, s0  }
0xae: {  	[sflag:s0] =	ssyncadd.tile.s32 @!p0 $0x1;
	_ =	shalt  }
.Lfunc_end2:
_tile_overlayer_lowered:
.L_overlay_start_2:
0xaf: {  	(tag) =	ssettag $0x2  }
0xb0: {  	s0 =	rddreg [dreg:$0x0];
	s2 =	stileid.u32  }
0xb1: {  	s1 =	rddreg [dreg:$0x1];
	p0 =	sne.s32 s2, $0x0  }
0xb2: {  	s3 =	rddreg [dreg:$0x2];
	[bflag:$0x3] =	sbarrier.arrive $0xFFFF;
	s2 =	simm.s32 @!p0 $0x1C07  }
0xb3: {  	[timem:s3], [sflag:s2] =	dma.local @!p0 [hbm:s0], s1  }
0xb4: {  	s0 =	simm.s32 @!p0 $0x7  }
0xb5: {  	_ =	swait.ge @!p0 [sflag:s0], s1  }
0xb6: {  	s1 =	ssub.s32 @!p0 $0x0, s1;
	[sflag:s0] =	ssyncset.done @!p0 $0x0  }
0xb7: {  	[sflag:s0] =	ssyncadd.s32 @!p0 s1  }
0xb8: {  	[bflag:$0x3] =	sbarrier.arrive $0xFFFF  }
0xb9: {  	_ =	shalt  }

// kernel: kernel.7.cloned.1.call-start
scs
__scs_entry_jumppad:
0x0: {  	(pc) =	sbr.rel $0x88, $3  }
0x1: {  	(tag) =	ssettag $0x0;
	lr =	simm.s32 $0x1  }
0x2: {  	[smem:$0x3F8C] =	sst lr;
	_ =	strace $0xD0000000  }
0x3: {  	_ = 	snop  }
0x4: {  	_ = 	snop  }
0x5: {  	_ = 	snop  }
0x6: {  	_ = 	snop  }
0x7: {  	_ = 	snop  }
__scs_overlays_trampoline_lowered:
0x8: {  	[smem:$0x3F9B] =	sst s0  }
0x9: {  	[smem:$0x3F9C] =	sst s1  }
0xa: {  	[smem:$0x3F9D] =	sst s2  }
0xb: {  	[smem:$0x3F9E] =	sst s3  }
0xc: {  	[smem:$0x3F9F] =	sst s4  }
0xd: {  	[smem:$0x3FA0] =	sst s5  }
0xe: {  	[smem:$0x3FA1] =	sst s6  }
0xf: {  	[smem:$0x3FA2] =	sst s7  }
0x10: {  	[smem:$0x3FA3] =	sst s8  }
0x11: {  	[smem:$0x3FA4] =	sst s9;
	s0 =	simm.s32 @!p0 $0x0  }
0x12: {  	s1 =	sld [smem:$0x3F8A];
	s0 =	simm.s32 @p0 $0x1  }
0x13: {  	[smem:$0x3FA5] =	sst s0;
	s0 =	simm.s32 @!p1 $0x0  }
0x14: {  	s2 =	sld [smem:$0x3F89];
	s0 =	simm.s32 @p1 $0x1  }
0x15: {  	[smem:$0x3FA6] =	sst s0;
	s0 =	simm.s32 @!p2 $0x0  }
0x16: {  	s3 =	sld [smem:$0x3FDB];
	s0 =	simm.s32 @p2 $0x1  }
0x17: {  	s4 =	simm.s32 $0x1BF5;
	[smem:$0x3FA8] =	sst s0  }
0x18: {  	s0 =	sld [smem:$0x3F8B];
	_ =	swait.ge [sflag:s4], $0x0  }
0x19: {  	s7 =	sld [smem:$0x3F8C]  }
0x1a: {  	s8 =	sadd.s32 $0xFFFFE003, lr  }
0x1b: {  	s9 =	sadd.s32 $0xFFFFFEF7, lr;
	s5 =	simm.s32 $0xFFFFFFFF;
	p2 =	slt.u32 s8, $0xFFFFF086  }
0x1c: {  	p1 =	slt.u32 s9, $0xF7A;
	s5 =	simm.s32 @!p2 $0x0  }
0x1d: {  	s5 =	simm.s32 @p1 $0x1;
	p0 =	seq.s32 s7, s2  }
0x1e: {  	s7 =	smul.u32 @!p0 $0xF7A, s2;
	p2 =	seq.s32 @!p0 s5, $0x0  }
0x1f: {  	s9 =	smul.u32 $0xF7A, s1;
	s8 =	simm.s32 @!p0 $0x1BF5;
	p2 =	por !p2, p0  }
0x20: {  	[sflag:s8] =	ssyncset.s32 @!p0 $0xFFFFF086;
	s6 =	sadd.s32 @!p0 s3, s7;
	s7 =	simm.s32 @!p0 $0x108  }
0x21: {  	s3 =	sadd.s32 s3, s9;
	s6 =	sadd.s32 @!p0 $0x88, s6;
	s7 =	simm.s32 @p2 $0x1082  }
0x22: {  	[simem:s7], [sflag:s8] =	dma.local @!p0 [hbm:s6], $0xF7A  }
0x23: {  	s9 =	sor.u32 $0xD0000000, s2;
	s6 =	simm.s32 $0x108;
	_ =	swait.ge @!p0 [sflag:s8], $0x0  }
0x24: {  	s3 =	sadd.s32 $0x88, s3;
	s6 =	simm.s32 @!p1 $0x1082;
	[sflag:s4] =	ssyncset.s32 $0xFFFFF086  }
0x25: {  	[simem:s6], [sflag:s4] =	dma.local [hbm:s3], $0xF7A  }
0x26: {  	[smem:$0x3F8C] =	sst s1;
	(tag) =	ssettag s2;
	_ =	strace s9  }
0x27: {  	s1 =	sld [smem:$0x3F9C]  }
0x28: {  	s2 =	sld [smem:$0x3F9D]  }
0x29: {  	s4 =	sld [smem:$0x3F9F]  }
0x2a: {  	p0 =	seq.s32 s5, $0x0;
	s5 =	sld [smem:$0x3FA0]  }
0x2b: {  	s6 =	sld [smem:$0x3FA1]  }
0x2c: {  	s7 =	sld [smem:$0x3FA2]  }
0x2d: {  	s3 =	simm.s32 $0x108;
	s8 =	sld [smem:$0x3FA3]  }
0x2e: {  	s3 =	simm.s32 @!p0 $0x1082;
	s9 =	sld [smem:$0x3FA4]  }
0x2f: {  	lr =	sadd.s32 s0, s3;
	s0 =	sld [smem:$0x3F9B]  }
0x30: {  	s3 =	sld [smem:$0x3F9E]  }
0x31: {  	[smem:$0x3FA7] =	sst s10  }
0x32: {  	s10 =	sld [smem:$0x3FA5];
	_ =	sdelay $0x3  }
0x33: {  	p0 =	seq.s32 s10, $0x1;
	s10 =	sld [smem:$0x3FA7];
	_ =	sdelay $0x3  }
0x34: {  	[smem:$0x3FA7] =	sst s10  }
0x35: {  	s10 =	sld [smem:$0x3FA6];
	_ =	sdelay $0x3  }
0x36: {  	p1 =	seq.s32 s10, $0x1;
	s10 =	sld [smem:$0x3FA7];
	_ =	sdelay $0x3  }
0x37: {  	[smem:$0x3FA7] =	sst s10  }
0x38: {  	s10 =	sld [smem:$0x3FA8]  }
0x39: {  	_ = 	snop;
	(pc) =	sbr.ind lr, $3  }
0x3a: {  	_ = 	snop  }
0x3b: {  	_ = 	snop  }
0x3c: {  	p2 =	seq.s32 s10, $0x1;
	s10 =	sld [smem:$0x3FA7]  }
0x3d: {  	_ =	shalt  }
0x3e: {  	_ =	shalt  }
0x3f: {  	_ =	shalt  }
0x40: {  	_ =	shalt  }
0x41: {  	_ =	shalt  }
0x42: {  	_ =	shalt  }
0x43: {  	_ =	shalt  }
0x44: {  	_ =	shalt  }
0x45: {  	_ =	shalt  }
0x46: {  	_ =	shalt  }
0x47: {  	_ =	shalt  }
0x48: {  	_ =	shalt  }
0x49: {  	_ =	shalt  }
0x4a: {  	_ =	shalt  }
0x4b: {  	_ =	shalt  }
0x4c: {  	_ =	shalt  }
0x4d: {  	_ =	shalt  }
0x4e: {  	_ =	shalt  }
0x4f: {  	_ =	shalt  }
0x50: {  	_ =	shalt  }
0x51: {  	_ =	shalt  }
0x52: {  	_ =	shalt  }
0x53: {  	_ =	shalt  }
0x54: {  	_ =	shalt  }
0x55: {  	_ =	shalt  }
0x56: {  	_ =	shalt  }
0x57: {  	_ =	shalt  }
0x58: {  	_ =	shalt  }
0x59: {  	_ =	shalt  }
0x5a: {  	_ =	shalt  }
0x5b: {  	_ =	shalt  }
0x5c: {  	_ =	shalt  }
0x5d: {  	_ =	shalt  }
0x5e: {  	_ =	shalt  }
0x5f: {  	_ =	shalt  }
0x60: {  	_ =	shalt  }
0x61: {  	_ =	shalt  }
0x62: {  	_ =	shalt  }
0x63: {  	_ =	shalt  }
0x64: {  	_ =	shalt  }
0x65: {  	_ =	shalt  }
0x66: {  	_ =	shalt  }
0x67: {  	_ =	shalt  }
0x68: {  	_ =	shalt  }
0x69: {  	_ =	shalt  }
0x6a: {  	_ =	shalt  }
0x6b: {  	_ =	shalt  }
0x6c: {  	_ =	shalt  }
0x6d: {  	_ =	shalt  }
0x6e: {  	_ =	shalt  }
0x6f: {  	_ =	shalt  }
0x70: {  	_ =	shalt  }
0x71: {  	_ =	shalt  }
0x72: {  	_ =	shalt  }
0x73: {  	_ =	shalt  }
0x74: {  	_ =	shalt  }
0x75: {  	_ =	shalt  }
0x76: {  	_ =	shalt  }
0x77: {  	_ =	shalt  }
0x78: {  	_ =	shalt  }
0x79: {  	_ =	shalt  }
0x7a: {  	_ =	shalt  }
0x7b: {  	_ =	shalt  }
0x7c: {  	_ =	shalt  }
0x7d: {  	_ =	shalt  }
0x7e: {  	_ =	shalt  }
0x7f: {  	_ =	shalt  }
0x80: {  	_ =	shalt  }
0x81: {  	_ =	shalt  }
0x82: {  	_ =	shalt  }
0x83: {  	_ =	shalt  }
0x84: {  	_ =	shalt  }
0x85: {  	_ =	shalt  }
0x86: {  	_ =	shalt  }
0x87: {  	_ =	shalt  }
.Lfunc_end0:
.L_simem_size_0:
called_computation_lowered:
.L_overlay_start_0:
0x88: {  	s2 =	sld [smem:$0x3FD9]  }
0x89: {  	s3 =	sld [smem:$0x3FFE];
	_ =	sdelay $0x1  }
0x8a: {  	s1 =	srdreg.scid  }
0x8b: {  	s0 =	sand.u32 $0x1, s1  }
0x8c: {  	s17 =	sshll.u32 s0, $0xA;
	s2 =	sadd.s32 s3, s2  }
0x8d: {  	s2 =	sadd.s32 s2, s17  }
0x8e: {  	[smem:$0x3FB3] =	sst s2  }
0x8f: {  	_ = 	snop  }
0x90: {  	s2 =	sld [smem:$0x3FD0];
	(tm) =	ssettm $0x1  }
0x91: {  	s18 =	sld [smem:$0x3FFB];
	_ =	sdelay $0x3  }
0x92: {  	_ =	strace s18  }
0x93: {  	s3 =	sld [smem:$0x3FFC];
	_ =	sdelay $0x3  }
0x94: {  	_ =	strace s3  }
0x95: {  	s3 =	sld [smem:$0x3FFD];
	_ =	sdelay $0x3  }
0x96: {  	_ =	strace s3  }
0x97: {  	_ =	strace $0x8FFFFFFF  }
0x98: {  	s19 =	sld [smem:$0x3FDB];
	_ =	sdelay $0x1  }
0x99: {  	s4 =	simm.s32 $_scs_section_size  }
0x9a: {  	s5 =	simm.s32 $_size__tile_overlayer_lowered;
	s6 =	simm.s32 $_tile_overlayer_lowered  }
0x9b: {  	s22 =	simm.s32 $0x1BFF;
	s21 =	sshll.u32 s6, $0x1;
	s3 =	sadd.s32 s4, s19  }
0x9c: {  	s7 =	simm.s32 $0x0;
	s20 =	sshll.u32 s5, $0x1;
	s5 =	sadd.s32 s21, s3  }
0x9d: {  	[timem:s7], [sflag:s22] =	dma.local [hbm:s5], s20  }
0x9e: {  	_ =	swait.ge [sflag:s22], s20  }
0x9f: {  	s4 =	ssub.s32 $0x0, s20;
	[sflag:s22] =	ssyncset.done $0x0  }
0xa0: {  	[sflag:s22] =	ssyncadd.s32 s4;
	_ =	sdelay $0x1  }
0xa1: {  	s23 =	simm.s32 $0x1B8B  }
0xa2: {  	_ =	swait.ge [sflag:s23], $0x1  }
0xa3: {  	[sflag:s23] =	ssyncset.done $0x0  }
0xa4: {  	s25 =	simm.s32 $0x1B8E;
	s24 =	sld [smem:$0x3FFE];
	[sflag:s23] =	ssyncadd.s32 $0xFFFFFFFF  }
0xa5: {  	s26 =	simm.s32 $execute0_lowered;
	[smem:$0x3FD2] =	sst s25  }
0xa6: {  	s5 =	sshll.u32 s26, $0x1;
	_ =	strace $0x80000046;
	[dreg:$0x1] =	wrdreg $0xFFFFFFFF  }
0xa7: {  	s28 =	simm.s32 $_size_execute0_lowered;
	s3 =	sadd.s32 s3, s5;
	[dreg:$0x0] =	wrdreg $0x0  }
0xa8: {  	s5 =	sshll.u32 s28, $0x1;
	[dreg:$0x2] =	wrdreg s3  }
0xa9: {  	[dreg:$0x3] =	wrdreg s5  }
0xaa: {  	[dreg:$0x4] =	wrdreg $0xC0  }
0xab: {  	_ =	task [dreg:s7], $0x5FFFF  }
0xac: {  	[dreg:$0x1] =	wrdreg $0xFFFFFFFF  }
0xad: {  	[dreg:$0x0] =	wrdreg $0x60  }
0xae: {  	[dreg:$0x2] =	wrdreg s24  }
0xaf: {  	[dreg:$0x3] =	wrdreg s2  }
0xb0: {  	[dreg:$0x4] =	wrdreg $0x9  }
0xb1: {  	_ =	task.clear_ibuf [dreg:s7], $0x5FFFF;
	_ =	strace $0x90000046  }
0xb2: {  	s29 =	simm.s32 $0x9;
	_ =	strace $0x80000048  }
0xb3: {  	_ =	swait.ge [sflag:s29], $0x1  }
0xb4: {  	[sflag:s29] =	ssyncadd.s32 $0xFFFFFFFF  }
0xb5: {  	_ =	strace $0x90000048  }
0xb6: {  	_ =	sfence  }
0xb7: {  	s30 =	sld [smem:$0x0];
	_ =	sdelay $0x2  }
0xb8: {  	s31 =	sshll.u32 s1, $0xD;
	s1 =	sshrl.u32 s1, $0x2  }
0xb9: {  	s3 =	sand.u32 $0x4000, s31;
	s1 =	sadd.s32 s1, s30  }
0xba: {  	s0 =	sor.u32 s3, s0;
	s1 =	sshll.u32 s1, $0x11  }
0xbb: {  	s0 =	sor.u32 s1, s0  }
0xbc: {  	s0 =	sadd.s32 $0x8F2B, s0  }
0xbd: {  	[sflag:s0] =	ssyncadd.remote.s32 $0x1  }
0xbe: {  	_ =	sfence.sel $0xFFFF  }
0xbf: {  	[dreg:$0x0] =	wrdreg $0xFFFFFFFF;
	(pc) =	sbr.abs _section_cstart, $3  }
0xc0: {  	[dreg:$0x1] =	wrdreg $0xFFFFFFFF  }
0xc1: {  	_ =	task.clear_ibuf [dreg:s7], $0x2FFFF;
	_ =	strace $0x9FFFFFFF  }
0xc2: {  	(tm) =	ssettm $0x7FFFFFFF  }
0xc3: {  	_ =	shalt  }
tec
execute0_lowered:
.L_overlay_start_1:
0x0: {  	(tag) =	ssettag $0x1  }
0x1: {  	s1 =	rddreg [dreg:$0x0]  }
0x2: {  	s6 =	rddreg [dreg:$0x1];
	s0 =	srdreg.scid  }
0x3: {  	s15 =	stileid.u32;
	s2 =	simm.s32 $0x0;
	s19 =	simm.s32 $0x80  }
0x4: {  	s20 =	simm.s32 $0x180;
	s22 =	simm.s32 $0x8200;
	s23 =	simm.s32 $0x8600  }
0x5: {  	s24 =	simm.s32 $0x8E00;
	s26 =	simm.s32 $0x9200;
	[smem:$0x7FF] =	sst s2  }
0x6: {  	s28 =	simm.s32 $0x5;
	_ =	strace $0x80000047;
	[dreg:$0x7] =	wrdreg s19  }
0x7: {  	s29 =	simm.s32 $0x7;
	s30 =	simm.s32 $0x6;
	[dreg:$0x8] =	wrdreg s20  }
0x8: {  	s31 =	simm.s32 $0x8;
	s7 =	sand.u32 $0x1, s0;
	[dreg:$0x9] =	wrdreg s22  }
0x9: {  	s12 =	smul.u32 $0x4E20, s15;
	s3 =	sadd.s32 $0xD600, s1;
	[dreg:$0xa] =	wrdreg s23  }
0xa: {  	s4 =	sadd.s32 $0x82A00, s1;
	s8 =	sadd.s32 $0x3800, s1;
	[dreg:$0xb] =	wrdreg s24  }
0xb: {  	s0 =	sadd.s32 $0xD0C00, s1;
	[dreg:$0xc] =	wrdreg s26;
	s19 =	simm.s32 $0xA600  }
0xc: {  	s16 =	sshll.u32 s15, $0x1;
	s20 =	simm.s32 $0xAA00;
	[dreg:$0xf] =	wrdreg s19  }
0xd: {  	s5 =	smul.u32 $0x2710, s7;
	s22 =	simm.s32 $0xB200;
	[dreg:$0x10] =	wrdreg s20  }
0xe: {  	s9 =	ssub.s32 $0x2, s7;
	s24 =	simm.s32 $0xB600;
	[dreg:$0x11] =	wrdreg s22  }
0xf: {  	s23 =	smul.u32 $0x9C400, s15;
	s26 =	simm.s32 $0xC200;
	[dreg:$0x12] =	wrdreg s24  }
0x10: {  	s15 =	simm.s32 $0xE200;
	s11 =	sshrl.u32 s9, $0x1;
	[dreg:$0x14] =	wrdreg s26  }
0x11: {  	[dreg:$0x19] =	wrdreg s15;
	s15 =	simm.s32 $0x1;
	s19 =	simm.s32 $0x15200  }
0x12: {  	s20 =	simm.s32 $0x15A00;
	s22 =	simm.s32 $0x16A00;
	[dreg:$0x1d] =	wrdreg s19  }
0x13: {  	s24 =	simm.s32 $0x17A00;
	s26 =	simm.s32 $0x18A00;
	[dreg:$0x1e] =	wrdreg s20  }
0x14: {  	s5 =	sadd.s32 s5, s12;
	s12 =	sadd.s32 $0xF76C00, s1;
	[smem:$0x7F9] =	sst s22  }
0x15: {  	s9 =	ssub.s32 s9, s11;
	[smem:$0x7FB] =	sst s24;
	s10 =	sadd.s32 $0x50, s5  }
0x16: {  	[smem:$0x7FD] =	sst s26;
	s24 =	simm.s32 $0x4;
	s10 =	sshrl.u32 s10, $0x3  }
0x17: {  	s26 =	simm.s32 $0x14200;
	s19 =	simm.s32 $0x2200;
	s13 =	sadd.s32 s10, s8  }
0x18: {  	s14 =	sadd.s32 s10, s6;
	[dreg:$0x3] =	wrdreg s13;
	s13 =	sshrl.u32 s5, $0x3  }
0x19: {  	[dreg:$0x4] =	wrdreg s14;
	s5 =	sor.u32 s7, s16;
	s16 =	simm.s32 $0x9A00  }
0x1a: {  	s20 =	simm.s32 $0x2600;
	s17 =	sadd.s32 s13, s8;
	[dreg:$0xd] =	wrdreg s16  }
0x1b: {  	s18 =	sadd.s32 s13, s6;
	s14 =	smul.u32 $0x2710, s5;
	[dreg:$0x5] =	wrdreg s17  }
0x1c: {  	s22 =	simm.s32 $0x3200;
	s16 =	simm.s32 $0xE600;
	[dreg:$0x6] =	wrdreg s18  }
0x1d: {  	s17 =	simm.s32 $0x9E00;
	[dreg:$0x1a] =	wrdreg s16;
	s21 =	sadd.s32 $0x26C0, s14  }
0x1e: {  	[dreg:$0xe] =	wrdreg s17;
	s17 =	simm.s32 $0xEE00;
	s14 =	sshrl.u32 s21, $0x3  }
0x1f: {  	s18 =	sshll.u32 s21, $0x5;
	s21 =	smax.u32 s9, $0x1;
	[dreg:$0x1b] =	wrdreg s17  }
0x20: {  	s11 =	smul.u32 $0x180, s10;
	s9 =	simm.s32 $0xCE00;
	[smem:$0x7F5] =	sst s21  }
0x21: {  	s10 =	simm.s32 $0xF200;
	s6 =	sadd.s32 s6, s14;
	[dreg:$0x16] =	wrdreg s9  }
0x22: {  	s7 =	smul.u32 $0x4E200, s7;
	s8 =	sadd.s32 s8, s14;
	[smem:$0x7F1] =	sst s6  }
0x23: {  	s25 =	smul.u32 $0x180, s14;
	s14 =	simm.s32 $0xDA00;
	[smem:$0x7F2] =	sst s8  }
0x24: {  	s5 =	sadd.s32 $0xD700, s1;
	s21 =	simm.s32 $0x16200;
	[dreg:$0x18] =	wrdreg s14  }
0x25: {  	s13 =	smul.u32 $0x180, s13;
	s8 =	simm.s32 $0xCA00;
	[dreg:$0x1f] =	wrdreg s21  }
0x26: {  	s1 =	simm.s32 $0x0;
	s6 =	sadd.s32 s0, s25;
	[dreg:$0x15] =	wrdreg s8  }
0x27: {  	s16 =	simm.s32 $0x3;
	s25 =	simm.s32 $0xBE00;
	[smem:$0x7F3] =	sst s6  }
0x28: {  	s17 =	simm.s32 $0x200;
	s6 =	sadd.s32 s12, s18;
	[dreg:$0x13] =	wrdreg s25  }
0x29: {  	s14 =	simm.s32 $0x1600;
	s18 =	simm.s32 $0x14A00;
	[smem:$0x7F4] =	sst s6  }
0x2a: {  	s21 =	simm.s32 $0x2E00;
	s25 =	simm.s32 $0x18200;
	[dreg:$0x1c] =	wrdreg s18  }
0x2b: {  	s6 =	sadd.s32 s23, s12;
	s12 =	simm.s32 $0xD600;
	[smem:$0x7FC] =	sst s25  }
0x2c: {  	s23 =	simm.s32 $0x17200;
	s6 =	sadd.s32 s7, s6;
	[dreg:$0x17] =	wrdreg s12  }
0x2d: {  	s25 =	simm.s32 $0x7A00;
	[smem:$0x7FA] =	sst s23;
	s6 =	sadd.s32 $0xA00, s6  }
0x2e: {  	v2 =	vlaneseq.u32;
	s18 =	simm.s32 $0x1A00;
	[smem:$0x7F6] =	sst s6;
	s6 =	sadd.s32 s11, s0  }
0x2f: {  	vm0 =	vmmov $0xffff;
	vm1 =	vmmov $0xff;
	v1 =	vshrl.u32 v2, $0x3;
	s23 =	simm.s32 $0x2;
	s0 =	sadd.s32 s13, s0;
	[smem:$0x7F7] =	sst s6  }
0x30: {  	v0 =	vand.u32 $0x7, v2;
	v2 =	vor.u32 $0x8, v2;
	v1 =	vmul.u32 $0x8, v1;
	s11 =	simm.s32 $0x100;
	s13 =	simm.s32 $0xE00;
	[smem:$0x7F8] =	sst s0  }
.LBB2_1:
0x31: {  	[smem:$0x7F0] =	sst s1  }
0x32: {  	s0 =	sld [smem:$0x7F8]  }
0x33: {  	s1 =	sld [smem:$0x7F7]  }
0x34: {  	s6 =	sld [smem:$0x7F6];
	s7 =	simm.s32 $0x0  }
.LBB2_2:
0x35: {  	s8 =	rddreg [dreg:$0x6]  }
0x36: {  	s9 =	rddreg [dreg:$0x5];
	s8 =	sadd.s32 s7, s8  }
0x37: {  	[tilespmem:s2], [sflag:$0x1] =	stream.linear.gather [hbm4b:s8+s2], $0x50, $0x38;
	[tilespmem:$0x19200] =	vst v63  }
0x38: {  	s12 =	rddreg [dreg:$0x4];
	s9 =	sadd.s32 s7, s9  }
0x39: {  	[tilespmem:s11], [sflag:$0x3] =	stream.linear.gather [hbm4b:s9+s2], $0x50, $0x38;
	[tilespmem:$0x19200] =	vst v63  }
0x3a: {  	s9 =	rddreg [dreg:$0x7]  }
0x3b: {  	s8 =	sadd.s32 s7, s12;
	s11 =	rddreg [dreg:$0x3]  }
0x3c: {  	[tilespmem:s9], [sflag:$0x2] =	stream.linear.gather [hbm4b:s8+s2], $0x50, $0x38;
	[tilespmem:$0x19200] =	vst v63  }
0x3d: {  	s12 =	rddreg [dreg:$0x8];
	s9 =	sadd.s32 s7, s11  }
0x3e: {  	[tilespmem:s12], [sflag:$0x4] =	stream.linear.gather [hbm4b:s9+s2], $0x50, $0x38;
	[tilespmem:$0x19200] =	vst v63  }
0x3f: {  	_ =	swait.ge [sflag:s15], $0x50  }
0x40: {  	[sflag:s15] =	ssyncset.done $0x0  }
0x41: {  	[sflag:s15] =	ssyncadd.s32 $0xFFFFFFB0  }
0x42: {  	_ =	swait.ge [sflag:s16], $0x50  }
0x43: {  	[sflag:s16] =	ssyncset.done $0x0  }
0x44: {  	[sflag:s16] =	ssyncadd.s32 $0xFFFFFFB0  }
0x45: {  	v3 =	vld [tilespmem:$0x100];
	_ =	sdelay $0x4  }
0x46: {  	v4 =	vshrl.u32 v3, $0x3  }
0x47: {  	v4 =	vmul.u32 $0x18, v4  }
0x48: {  	v3 =	vand.u32 $0x7, v3  }
0x49: {  	v3 =	vor.u32 v3, v4  }
0x4a: {  	v4 =	vperm.xlane v3, v0;
	_ =	sdelay $0x1  }
0x4b: {  	v4 =	vadd.s32 v1, v4;
	_ =	sdelay $0x1  }
0x4c: {  	v3 =	vperm.xlane v3, v2;
	_ =	sdelay $0x1  }
0x4d: {  	v3 =	vadd.s32 v1, v3  }
0x4e: {  	[tilespmem:s17], [sflag:$0x5] =	stream.indirect_vreg.gather [hbm4b:s3+s2], $0x80, v4, vm0, $0xb8;
	[tilespmem:$0x19200] =	vst v63  }
0x4f: {  	s12 =	simm.s32 $0xA00  }
0x50: {  	[tilespmem:s12], [sflag:$0x5] =	stream.indirect_vreg.gather [hbm4b:s5+s2], $0x80, v4, vm1, $0xb8;
	[tilespmem:$0x19200] =	vst v63  }
0x51: {  	_ = 	snop  }
0x52: {  	[tilespmem:s13], [sflag:$0x5] =	stream.indirect_vreg.gather [hbm4b:s3+s2], $0x80, v3, vm0, $0xb8;
	[tilespmem:$0x19200] =	vst v63  }
0x53: {  	_ = 	snop  }
0x54: {  	[tilespmem:s14], [sflag:$0x5] =	stream.indirect_vreg.gather [hbm4b:s5+s2], $0x80, v3, vm1, $0xb8;
	[tilespmem:$0x19200] =	vst v63  }
0x55: {  	v3 =	vld [tilespmem:$0x110];
	_ =	sdelay $0x4  }
0x56: {  	v45 =	vshrl.u32 v3, $0x3  }
0x57: {  	v4 =	vmul.u32 $0x18, v45  }
0x58: {  	v3 =	vand.u32 $0x7, v3  }
0x59: {  	v3 =	vor.u32 v3, v4  }
0x5a: {  	v4 =	vperm.xlane v3, v0;
	_ =	sdelay $0x1  }
0x5b: {  	v4 =	vadd.s32 v1, v4;
	_ =	sdelay $0x1  }
0x5c: {  	v3 =	vperm.xlane v3, v2;
	_ =	sdelay $0x1  }
0x5d: {  	v3 =	vadd.s32 v1, v3  }
0x5e: {  	[tilespmem:s18], [sflag:$0x5] =	stream.indirect_vreg.gather [hbm4b:s3+s2], $0x80, v4, vm0, $0xb8;
	[tilespmem:$0x19200] =	vst v63  }
0x5f: {  	_ = 	snop  }
0x60: {  	[tilespmem:s19], [sflag:$0x5] =	stream.indirect_vreg.gather [hbm4b:s5+s2], $0x80, v4, vm1, $0xb8;
	[tilespmem:$0x19200] =	vst v63  }
0x61: {  	_ = 	snop  }
0x62: {  	[tilespmem:s20], [sflag:$0x5] =	stream.indirect_vreg.gather [hbm4b:s3+s2], $0x80, v3, vm0, $0xb8;
	[tilespmem:$0x19200] =	vst v63  }
0x63: {  	_ = 	snop  }
0x64: {  	[tilespmem:s21], [sflag:$0x5] =	stream.indirect_vreg.gather [hbm4b:s5+s2], $0x80, v3, vm1, $0xb8;
	[tilespmem:$0x19200] =	vst v63  }
0x65: {  	v3 =	vld [tilespmem:$0x120];
	_ =	sdelay $0x4  }
0x66: {  	v46 =	vshrl.u32 v3, $0x3  }
0x67: {  	v4 =	vmul.u32 $0x18, v46  }
0x68: {  	v3 =	vand.u32 $0x7, v3  }
0x69: {  	v3 =	vor.u32 v3, v4  }
0x6a: {  	v4 =	vperm.xlane v3, v0;
	_ =	sdelay $0x1  }
0x6b: {  	v4 =	vadd.s32 v1, v4;
	_ =	sdelay $0x1  }
0x6c: {  	v3 =	vperm.xlane v3, v2;
	_ =	sdelay $0x1  }
0x6d: {  	v3 =	vadd.s32 v1, v3  }
0x6e: {  	[tilespmem:s22], [sflag:$0x5] =	stream.indirect_vreg.gather [hbm4b:s3+s2], $0x80, v4, vm0, $0xb8;
	[tilespmem:$0x19200] =	vst v63  }
0x6f: {  	s9 =	simm.s32 $0x3A00  }
0x70: {  	[tilespmem:s9], [sflag:$0x5] =	stream.indirect_vreg.gather [hbm4b:s5+s2], $0x80, v4, vm1, $0xb8;
	[tilespmem:$0x19200] =	vst v63  }
0x71: {  	s9 =	simm.s32 $0x3E00  }
0x72: {  	[tilespmem:s9], [sflag:$0x5] =	stream.indirect_vreg.gather [hbm4b:s3+s2], $0x80, v3, vm0, $0xb8;
	[tilespmem:$0x19200] =	vst v63  }
0x73: {  	s9 =	simm.s32 $0x4600  }
0x74: {  	[tilespmem:s9], [sflag:$0x5] =	stream.indirect_vreg.gather [hbm4b:s5+s2], $0x80, v3, vm1, $0xb8;
	[tilespmem:$0x19200] =	vst v63  }
0x75: {  	v3 =	vld [tilespmem:$0x130];
	_ =	sdelay $0x4  }
0x76: {  	v47 =	vshrl.u32 v3, $0x3  }
0x77: {  	v4 =	vmul.u32 $0x18, v47  }
0x78: {  	v3 =	vand.u32 $0x7, v3  }
0x79: {  	v3 =	vor.u32 v3, v4  }
0x7a: {  	v4 =	vperm.xlane v3, v0;
	_ =	sdelay $0x1  }
0x7b: {  	v4 =	vadd.s32 v1, v4;
	_ =	sdelay $0x1  }
0x7c: {  	v3 =	vperm.xlane v3, v2;
	_ =	sdelay $0x1  }
0x7d: {  	s9 =	simm.s32 $0x4A00;
	v3 =	vadd.s32 v1, v3  }
0x7e: {  	[tilespmem:s9], [sflag:$0x5] =	stream.indirect_vreg.gather [hbm4b:s3+s2], $0x80, v4, vm0, $0xb8;
	[tilespmem:$0x19200] =	vst v63  }
0x7f: {  	s9 =	simm.s32 $0x5200  }
0x80: {  	[tilespmem:s9], [sflag:$0x5] =	stream.indirect_vreg.gather [hbm4b:s5+s2], $0x80, v4, vm1, $0xb8;
	[tilespmem:$0x19200] =	vst v63  }
0x81: {  	s9 =	simm.s32 $0x5600  }
0x82: {  	[tilespmem:s9], [sflag:$0x5] =	stream.indirect_vreg.gather [hbm4b:s3+s2], $0x80, v3, vm0, $0xb8;
	[tilespmem:$0x19200] =	vst v63  }
0x83: {  	s9 =	simm.s32 $0x5E00  }
0x84: {  	[tilespmem:s9], [sflag:$0x5] =	stream.indirect_vreg.gather [hbm4b:s5+s2], $0x80, v3, vm1, $0xb8;
	[tilespmem:$0x19200] =	vst v63  }
0x85: {  	v3 =	vld [tilespmem:$0x140];
	_ =	sdelay $0x4  }
0x86: {  	v48 =	vshrl.u32 v3, $0x3  }
0x87: {  	v4 =	vmul.u32 $0x18, v48  }
0x88: {  	v3 =	vand.u32 $0x7, v3  }
0x89: {  	v3 =	vor.u32 v3, v4  }
0x8a: {  	v4 =	vperm.xlane v3, v0;
	_ =	sdelay $0x1  }
0x8b: {  	v4 =	vadd.s32 v1, v4;
	_ =	sdelay $0x1  }
0x8c: {  	v3 =	vperm.xlane v3, v2;
	_ =	sdelay $0x1  }
0x8d: {  	s9 =	simm.s32 $0x6200;
	v3 =	vadd.s32 v1, v3  }
0x8e: {  	[tilespmem:s9], [sflag:$0x5] =	stream.indirect_vreg.gather [hbm4b:s3+s2], $0x80, v4, vm0, $0xb8;
	[tilespmem:$0x19200] =	vst v63  }
0x8f: {  	s9 =	simm.s32 $0x6A00  }
0x90: {  	[tilespmem:s9], [sflag:$0x5] =	stream.indirect_vreg.gather [hbm4b:s5+s2], $0x80, v4, vm1, $0xb8;
	[tilespmem:$0x19200] =	vst v63  }
0x91: {  	s9 =	simm.s32 $0x6E00  }
0x92: {  	[tilespmem:s9], [sflag:$0x5] =	stream.indirect_vreg.gather [hbm4b:s3+s2], $0x80, v3, vm0, $0xb8;
	[tilespmem:$0x19200] =	vst v63  }
0x93: {  	s9 =	simm.s32 $0x7600  }
0x94: {  	[tilespmem:s9], [sflag:$0x5] =	stream.indirect_vreg.gather [hbm4b:s5+s2], $0x80, v3, vm1, $0xb8;
	[tilespmem:$0x19200] =	vst v63  }
0x95: {  	v3 =	vld [tilespmem:$0x0];
	_ =	sdelay $0x4  }
0x96: {  	v49 =	vshll.u32 v3, $0x1  }
0x97: {  	v3 =	vand.u32 $0x7, v3;
	v4 =	vand.u32 $0xFFFFFFF0, v49  }
0x98: {  	v3 =	vor.u32 v3, v4  }
0x99: {  	v4 =	vperm.xlane v3, v0;
	_ =	sdelay $0x1  }
0x9a: {  	v3 =	vperm.xlane v3, v2;
	v4 =	vadd.s32 v1, v4;
	_ =	sdelay $0x1  }
0x9b: {  	v3 =	vadd.s32 v1, v3;
	_ =	sdelay $0x2  }
0x9c: {  	[tilespmem:s10], [sflag:$0x7] =	stream.indirect_vreg.gather [hbm4b:s4+s2], $0x80, v4, vm0, $0xb8;
	[tilespmem:$0x19200] =	vst v63  }
0x9d: {  	s9 =	simm.s32 $0xFA00  }
0x9e: {  	[tilespmem:s9], [sflag:$0x7] =	stream.indirect_vreg.gather [hbm4b:s4+s2], $0x80, v3, vm0, $0xb8;
	[tilespmem:$0x19200] =	vst v63  }
0x9f: {  	v3 =	vld [tilespmem:$0x10];
	_ =	sdelay $0x4  }
0xa0: {  	v50 =	vshll.u32 v3, $0x1  }
0xa1: {  	v3 =	vand.u32 $0x7, v3;
	v4 =	vand.u32 $0xFFFFFFF0, v50  }
0xa2: {  	v3 =	vor.u32 v3, v4  }
0xa3: {  	v4 =	vperm.xlane v3, v0;
	_ =	sdelay $0x1  }
0xa4: {  	v3 =	vperm.xlane v3, v2;
	v4 =	vadd.s32 v1, v4;
	_ =	sdelay $0x1  }
0xa5: {  	v3 =	vadd.s32 v1, v3;
	_ =	sdelay $0x1  }
0xa6: {  	s9 =	simm.s32 $0x10200  }
0xa7: {  	[tilespmem:s9], [sflag:$0x7] =	stream.indirect_vreg.gather [hbm4b:s4+s2], $0x80, v4, vm0, $0xb8;
	[tilespmem:$0x19200] =	vst v63  }
0xa8: {  	s9 =	simm.s32 $0x10A00  }
0xa9: {  	[tilespmem:s9], [sflag:$0x7] =	stream.indirect_vreg.gather [hbm4b:s4+s2], $0x80, v3, vm0, $0xb8;
	[tilespmem:$0x19200] =	vst v63  }
0xaa: {  	v3 =	vld [tilespmem:$0x20];
	_ =	sdelay $0x4  }
0xab: {  	v51 =	vshll.u32 v3, $0x1  }
0xac: {  	v3 =	vand.u32 $0x7, v3;
	v4 =	vand.u32 $0xFFFFFFF0, v51  }
0xad: {  	v3 =	vor.u32 v3, v4  }
0xae: {  	v4 =	vperm.xlane v3, v0;
	_ =	sdelay $0x1  }
0xaf: {  	v3 =	vperm.xlane v3, v2;
	v4 =	vadd.s32 v1, v4;
	_ =	sdelay $0x1  }
0xb0: {  	v3 =	vadd.s32 v1, v3;
	_ =	sdelay $0x1  }
0xb1: {  	s9 =	simm.s32 $0x11200  }
0xb2: {  	[tilespmem:s9], [sflag:$0x7] =	stream.indirect_vreg.gather [hbm4b:s4+s2], $0x80, v4, vm0, $0xb8;
	[tilespmem:$0x19200] =	vst v63  }
0xb3: {  	s9 =	simm.s32 $0x11A00  }
0xb4: {  	[tilespmem:s9], [sflag:$0x7] =	stream.indirect_vreg.gather [hbm4b:s4+s2], $0x80, v3, vm0, $0xb8;
	[tilespmem:$0x19200] =	vst v63  }
0xb5: {  	v3 =	vld [tilespmem:$0x30];
	_ =	sdelay $0x4  }
0xb6: {  	v52 =	vshll.u32 v3, $0x1  }
0xb7: {  	v3 =	vand.u32 $0x7, v3;
	v4 =	vand.u32 $0xFFFFFFF0, v52  }
0xb8: {  	v3 =	vor.u32 v3, v4  }
0xb9: {  	v4 =	vperm.xlane v3, v0;
	_ =	sdelay $0x1  }
0xba: {  	v3 =	vperm.xlane v3, v2;
	v4 =	vadd.s32 v1, v4;
	_ =	sdelay $0x1  }
0xbb: {  	v3 =	vadd.s32 v1, v3;
	_ =	sdelay $0x1  }
0xbc: {  	s9 =	simm.s32 $0x12200  }
0xbd: {  	[tilespmem:s9], [sflag:$0x7] =	stream.indirect_vreg.gather [hbm4b:s4+s2], $0x80, v4, vm0, $0xb8;
	[tilespmem:$0x19200] =	vst v63  }
0xbe: {  	s9 =	simm.s32 $0x12A00  }
0xbf: {  	[tilespmem:s9], [sflag:$0x7] =	stream.indirect_vreg.gather [hbm4b:s4+s2], $0x80, v3, vm0, $0xb8;
	[tilespmem:$0x19200] =	vst v63  }
0xc0: {  	v3 =	vld [tilespmem:$0x40];
	_ =	sdelay $0x4  }
0xc1: {  	v53 =	vshll.u32 v3, $0x1  }
0xc2: {  	v3 =	vand.u32 $0x7, v3;
	v4 =	vand.u32 $0xFFFFFFF0, v53  }
0xc3: {  	v3 =	vor.u32 v3, v4  }
0xc4: {  	v4 =	vperm.xlane v3, v0;
	_ =	sdelay $0x1  }
0xc5: {  	v3 =	vperm.xlane v3, v2;
	v4 =	vadd.s32 v1, v4;
	_ =	sdelay $0x1  }
0xc6: {  	v3 =	vadd.s32 v1, v3;
	_ =	sdelay $0x1  }
0xc7: {  	s9 =	simm.s32 $0x13200  }
0xc8: {  	[tilespmem:s9], [sflag:$0x7] =	stream.indirect_vreg.gather [hbm4b:s4+s2], $0x80, v4, vm0, $0xb8;
	[tilespmem:$0x19200] =	vst v63  }
0xc9: {  	s9 =	simm.s32 $0x13A00  }
0xca: {  	[tilespmem:s9], [sflag:$0x7] =	stream.indirect_vreg.gather [hbm4b:s4+s2], $0x80, v3, vm0, $0xb8;
	[tilespmem:$0x19200] =	vst v63  }
0xcb: {  	_ =	swait.ge [sflag:s23], $0x50  }
0xcc: {  	[sflag:s23] =	ssyncset.done $0x0  }
0xcd: {  	[sflag:s23] =	ssyncadd.s32 $0xFFFFFFB0  }
0xce: {  	_ =	swait.ge [sflag:s24], $0x50  }
0xcf: {  	[sflag:s24] =	ssyncset.done $0x0  }
0xd0: {  	[sflag:s24] =	ssyncadd.s32 $0xFFFFFFB0  }
0xd1: {  	v3 =	vld [tilespmem:$0x180];
	_ =	sdelay $0x4  }
0xd2: {  	v54 =	vshrl.u32 v3, $0x3  }
0xd3: {  	v4 =	vmul.u32 $0x18, v54  }
0xd4: {  	v3 =	vand.u32 $0x7, v3  }
0xd5: {  	v3 =	vor.u32 v3, v4  }
0xd6: {  	v4 =	vperm.xlane v3, v0;
	_ =	sdelay $0x1  }
0xd7: {  	v4 =	vadd.s32 v1, v4;
	_ =	sdelay $0x1  }
0xd8: {  	v3 =	vperm.xlane v3, v2;
	_ =	sdelay $0x1  }
0xd9: {  	v3 =	vadd.s32 v1, v3  }
0xda: {  	[tilespmem:s25], [sflag:$0x6] =	stream.indirect_vreg.gather [hbm4b:s3+s2], $0x80, v4, vm0, $0xb8;
	[tilespmem:$0x19200] =	vst v63  }
0xdb: {  	s8 =	rddreg [dreg:$0x9]  }
0xdc: {  	[tilespmem:s8], [sflag:$0x6] =	stream.indirect_vreg.gather [hbm4b:s5+s2], $0x80, v4, vm1, $0xb8;
	[tilespmem:$0x19200] =	vst v63  }
0xdd: {  	s9 =	rddreg [dreg:$0xa]  }
0xde: {  	[tilespmem:s9], [sflag:$0x6] =	stream.indirect_vreg.gather [hbm4b:s3+s2], $0x80, v3, vm0, $0xb8;
	[tilespmem:$0x19200] =	vst v63  }
0xdf: {  	s8 =	rddreg [dreg:$0xb]  }
0xe0: {  	[tilespmem:s8], [sflag:$0x6] =	stream.indirect_vreg.gather [hbm4b:s5+s2], $0x80, v3, vm1, $0xb8;
	[tilespmem:$0x19200] =	vst v63  }
0xe1: {  	v3 =	vld [tilespmem:$0x190];
	_ =	sdelay $0x4  }
0xe2: {  	v55 =	vshrl.u32 v3, $0x3  }
0xe3: {  	v4 =	vmul.u32 $0x18, v55  }
0xe4: {  	v3 =	vand.u32 $0x7, v3  }
0xe5: {  	v3 =	vor.u32 v3, v4  }
0xe6: {  	v4 =	vperm.xlane v3, v0;
	_ =	sdelay $0x1  }
0xe7: {  	v4 =	vadd.s32 v1, v4;
	_ =	sdelay $0x1  }
0xe8: {  	v3 =	vperm.xlane v3, v2;
	_ =	sdelay $0x1  }
0xe9: {  	s8 =	rddreg [dreg:$0xc];
	v3 =	vadd.s32 v1, v3  }
0xea: {  	[tilespmem:s8], [sflag:$0x6] =	stream.indirect_vreg.gather [hbm4b:s3+s2], $0x80, v4, vm0, $0xb8;
	[tilespmem:$0x19200] =	vst v63  }
0xeb: {  	s9 =	rddreg [dreg:$0xd]  }
0xec: {  	[tilespmem:s9], [sflag:$0x6] =	stream.indirect_vreg.gather [hbm4b:s5+s2], $0x80, v4, vm1, $0xb8;
	[tilespmem:$0x19200] =	vst v63  }
0xed: {  	s8 =	rddreg [dreg:$0xe]  }
0xee: {  	[tilespmem:s8], [sflag:$0x6] =	stream.indirect_vreg.gather [hbm4b:s3+s2], $0x80, v3, vm0, $0xb8;
	[tilespmem:$0x19200] =	vst v63  }
0xef: {  	s9 =	rddreg [dreg:$0xf]  }
0xf0: {  	[tilespmem:s9], [sflag:$0x6] =	stream.indirect_vreg.gather [hbm4b:s5+s2], $0x80, v3, vm1, $0xb8;
	[tilespmem:$0x19200] =	vst v63  }
0xf1: {  	v3 =	vld [tilespmem:$0x1A0];
	_ =	sdelay $0x4  }
0xf2: {  	v56 =	vshrl.u32 v3, $0x3  }
0xf3: {  	v4 =	vmul.u32 $0x18, v56  }
0xf4: {  	v3 =	vand.u32 $0x7, v3  }
0xf5: {  	v3 =	vor.u32 v3, v4  }
0xf6: {  	v4 =	vperm.xlane v3, v0;
	_ =	sdelay $0x1  }
0xf7: {  	v4 =	vadd.s32 v1, v4;
	_ =	sdelay $0x1  }
0xf8: {  	v3 =	vperm.xlane v3, v2;
	_ =	sdelay $0x1  }
0xf9: {  	s8 =	rddreg [dreg:$0x10];
	v3 =	vadd.s32 v1, v3  }
0xfa: {  	[tilespmem:s8], [sflag:$0x6] =	stream.indirect_vreg.gather [hbm4b:s3+s2], $0x80, v4, vm0, $0xb8;
	[tilespmem:$0x19200] =	vst v63  }
0xfb: {  	s9 =	rddreg [dreg:$0x11]  }
0xfc: {  	[tilespmem:s9], [sflag:$0x6] =	stream.indirect_vreg.gather [hbm4b:s5+s2], $0x80, v4, vm1, $0xb8;
	[tilespmem:$0x19200] =	vst v63  }
0xfd: {  	s8 =	rddreg [dreg:$0x12]  }
0xfe: {  	[tilespmem:s8], [sflag:$0x6] =	stream.indirect_vreg.gather [hbm4b:s3+s2], $0x80, v3, vm0, $0xb8;
	[tilespmem:$0x19200] =	vst v63  }
0xff: {  	s9 =	rddreg [dreg:$0x13]  }
0x100: {  	[tilespmem:s9], [sflag:$0x6] =	stream.indirect_vreg.gather [hbm4b:s5+s2], $0x80, v3, vm1, $0xb8;
	[tilespmem:$0x19200] =	vst v63  }
0x101: {  	v3 =	vld [tilespmem:$0x1B0];
	_ =	sdelay $0x4  }
0x102: {  	v57 =	vshrl.u32 v3, $0x3  }
0x103: {  	v4 =	vmul.u32 $0x18, v57  }
0x104: {  	v3 =	vand.u32 $0x7, v3  }
0x105: {  	v3 =	vor.u32 v3, v4  }
0x106: {  	v4 =	vperm.xlane v3, v0;
	_ =	sdelay $0x1  }
0x107: {  	v4 =	vadd.s32 v1, v4;
	_ =	sdelay $0x1  }
0x108: {  	v3 =	vperm.xlane v3, v2;
	_ =	sdelay $0x1  }
0x109: {  	s8 =	rddreg [dreg:$0x14];
	v3 =	vadd.s32 v1, v3  }
0x10a: {  	[tilespmem:s8], [sflag:$0x6] =	stream.indirect_vreg.gather [hbm4b:s3+s2], $0x80, v4, vm0, $0xb8;
	[tilespmem:$0x19200] =	vst v63  }
0x10b: {  	s9 =	rddreg [dreg:$0x15]  }
0x10c: {  	[tilespmem:s9], [sflag:$0x6] =	stream.indirect_vreg.gather [hbm4b:s5+s2], $0x80, v4, vm1, $0xb8;
	[tilespmem:$0x19200] =	vst v63  }
0x10d: {  	s8 =	rddreg [dreg:$0x16]  }
0x10e: {  	[tilespmem:s8], [sflag:$0x6] =	stream.indirect_vreg.gather [hbm4b:s3+s2], $0x80, v3, vm0, $0xb8;
	[tilespmem:$0x19200] =	vst v63  }
0x10f: {  	s9 =	rddreg [dreg:$0x17]  }
0x110: {  	[tilespmem:s9], [sflag:$0x6] =	stream.indirect_vreg.gather [hbm4b:s5+s2], $0x80, v3, vm1, $0xb8;
	[tilespmem:$0x19200] =	vst v63  }
0x111: {  	v3 =	vld [tilespmem:$0x1C0];
	_ =	sdelay $0x4  }
0x112: {  	v58 =	vshrl.u32 v3, $0x3  }
0x113: {  	v4 =	vmul.u32 $0x18, v58  }
0x114: {  	v3 =	vand.u32 $0x7, v3  }
0x115: {  	v3 =	vor.u32 v3, v4  }
0x116: {  	v4 =	vperm.xlane v3, v0;
	_ =	sdelay $0x1  }
0x117: {  	v4 =	vadd.s32 v1, v4;
	_ =	sdelay $0x1  }
0x118: {  	v3 =	vperm.xlane v3, v2;
	_ =	sdelay $0x1  }
0x119: {  	s8 =	rddreg [dreg:$0x18];
	v3 =	vadd.s32 v1, v3  }
0x11a: {  	[tilespmem:s8], [sflag:$0x6] =	stream.indirect_vreg.gather [hbm4b:s3+s2], $0x80, v4, vm0, $0xb8;
	[tilespmem:$0x19200] =	vst v63  }
0x11b: {  	s9 =	rddreg [dreg:$0x19]  }
0x11c: {  	[tilespmem:s9], [sflag:$0x6] =	stream.indirect_vreg.gather [hbm4b:s5+s2], $0x80, v4, vm1, $0xb8;
	[tilespmem:$0x19200] =	vst v63  }
0x11d: {  	s8 =	rddreg [dreg:$0x1a]  }
0x11e: {  	[tilespmem:s8], [sflag:$0x6] =	stream.indirect_vreg.gather [hbm4b:s3+s2], $0x80, v3, vm0, $0xb8;
	[tilespmem:$0x19200] =	vst v63  }
0x11f: {  	s9 =	rddreg [dreg:$0x1b]  }
0x120: {  	[tilespmem:s9], [sflag:$0x6] =	stream.indirect_vreg.gather [hbm4b:s5+s2], $0x80, v3, vm1, $0xb8;
	[tilespmem:$0x19200] =	vst v63  }
0x121: {  	v3 =	vld [tilespmem:$0x80];
	_ =	sdelay $0x4  }
0x122: {  	v59 =	vshll.u32 v3, $0x1  }
0x123: {  	v3 =	vand.u32 $0x7, v3;
	v4 =	vand.u32 $0xFFFFFFF0, v59  }
0x124: {  	v3 =	vor.u32 v3, v4  }
0x125: {  	v4 =	vperm.xlane v3, v0;
	_ =	sdelay $0x1  }
0x126: {  	v3 =	vperm.xlane v3, v2;
	v4 =	vadd.s32 v1, v4;
	_ =	sdelay $0x1  }
0x127: {  	v3 =	vadd.s32 v1, v3;
	_ =	sdelay $0x2  }
0x128: {  	[tilespmem:s26], [sflag:$0x8] =	stream.indirect_vreg.gather [hbm4b:s4+s2], $0x80, v4, vm0, $0xb8;
	[tilespmem:$0x19200] =	vst v63  }
0x129: {  	s9 =	rddreg [dreg:$0x1c]  }
0x12a: {  	[tilespmem:s9], [sflag:$0x8] =	stream.indirect_vreg.gather [hbm4b:s4+s2], $0x80, v3, vm0, $0xb8;
	[tilespmem:$0x19200] =	vst v63  }
0x12b: {  	v3 =	vld [tilespmem:$0x90];
	_ =	sdelay $0x4  }
0x12c: {  	v60 =	vshll.u32 v3, $0x1  }
0x12d: {  	v3 =	vand.u32 $0x7, v3;
	v4 =	vand.u32 $0xFFFFFFF0, v60  }
0x12e: {  	v3 =	vor.u32 v3, v4  }
0x12f: {  	v4 =	vperm.xlane v3, v0;
	_ =	sdelay $0x1  }
0x130: {  	v3 =	vperm.xlane v3, v2;
	v4 =	vadd.s32 v1, v4;
	_ =	sdelay $0x1  }
0x131: {  	v3 =	vadd.s32 v1, v3;
	_ =	sdelay $0x1  }
0x132: {  	s8 =	rddreg [dreg:$0x1d]  }
0x133: {  	[tilespmem:s8], [sflag:$0x8] =	stream.indirect_vreg.gather [hbm4b:s4+s2], $0x80, v4, vm0, $0xb8;
	[tilespmem:$0x19200] =	vst v63  }
0x134: {  	s9 =	rddreg [dreg:$0x1e]  }
0x135: {  	[tilespmem:s9], [sflag:$0x8] =	stream.indirect_vreg.gather [hbm4b:s4+s2], $0x80, v3, vm0, $0xb8;
	[tilespmem:$0x19200] =	vst v63  }
0x136: {  	v3 =	vld [tilespmem:$0xA0];
	_ =	sdelay $0x4  }
0x137: {  	v61 =	vshll.u32 v3, $0x1  }
0x138: {  	v3 =	vand.u32 $0x7, v3;
	v4 =	vand.u32 $0xFFFFFFF0, v61  }
0x139: {  	v3 =	vor.u32 v3, v4  }
0x13a: {  	v4 =	vperm.xlane v3, v0;
	_ =	sdelay $0x1  }
0x13b: {  	v3 =	vperm.xlane v3, v2;
	v4 =	vadd.s32 v1, v4;
	_ =	sdelay $0x1  }
0x13c: {  	v3 =	vadd.s32 v1, v3  }
0x13d: {  	s8 =	rddreg [dreg:$0x1f]  }
0x13e: {  	s9 =	sld [smem:$0x7F9]  }
0x13f: {  	[tilespmem:s8], [sflag:$0x8] =	stream.indirect_vreg.gather [hbm4b:s4+s2], $0x80, v4, vm0, $0xb8;
	[tilespmem:$0x19200] =	vst v63  }
0x140: {  	_ = 	snop  }
0x141: {  	[tilespmem:s9], [sflag:$0x8] =	stream.indirect_vreg.gather [hbm4b:s4+s2], $0x80, v3, vm0, $0xb8;
	[tilespmem:$0x19200] =	vst v63  }
0x142: {  	v3 =	vld [tilespmem:$0xB0];
	_ =	sdelay $0x4  }
0x143: {  	v62 =	vshll.u32 v3, $0x1  }
0x144: {  	v3 =	vand.u32 $0x7, v3;
	v4 =	vand.u32 $0xFFFFFFF0, v62  }
0x145: {  	v3 =	vor.u32 v3, v4  }
0x146: {  	v4 =	vperm.xlane v3, v0;
	_ =	sdelay $0x1  }
0x147: {  	v3 =	vperm.xlane v3, v2;
	v4 =	vadd.s32 v1, v4;
	_ =	sdelay $0x1  }
0x148: {  	s8 =	sld [smem:$0x7FA];
	v3 =	vadd.s32 v1, v3;
	_ =	sdelay $0x1  }
0x149: {  	s9 =	sld [smem:$0x7FB]  }
0x14a: {  	[tilespmem:s8], [sflag:$0x8] =	stream.indirect_vreg.gather [hbm4b:s4+s2], $0x80, v4, vm0, $0xb8;
	[tilespmem:$0x19200] =	vst v63  }
0x14b: {  	_ = 	snop  }
0x14c: {  	[tilespmem:s9], [sflag:$0x8] =	stream.indirect_vreg.gather [hbm4b:s4+s2], $0x80, v3, vm0, $0xb8;
	[tilespmem:$0x19200] =	vst v63  }
0x14d: {  	v3 =	vld [tilespmem:$0xC0];
	_ =	sdelay $0x4  }
0x14e: {  	v63 =	vshll.u32 v3, $0x1  }
0x14f: {  	v3 =	vand.u32 $0x7, v3;
	v4 =	vand.u32 $0xFFFFFFF0, v63  }
0x150: {  	v3 =	vor.u32 v3, v4  }
0x151: {  	v4 =	vperm.xlane v3, v0;
	_ =	sdelay $0x1  }
0x152: {  	v3 =	vperm.xlane v3, v2;
	v4 =	vadd.s32 v1, v4;
	_ =	sdelay $0x1  }
0x153: {  	s8 =	sld [smem:$0x7FC];
	v3 =	vadd.s32 v1, v3;
	_ =	sdelay $0x1  }
0x154: {  	s9 =	sld [smem:$0x7FD]  }
0x155: {  	[tilespmem:s8], [sflag:$0x8] =	stream.indirect_vreg.gather [hbm4b:s4+s2], $0x80, v4, vm0, $0xb8;
	[tilespmem:$0x19200] =	vst v63  }
0x156: {  	_ = 	snop  }
0x157: {  	[tilespmem:s9], [sflag:$0x8] =	stream.indirect_vreg.gather [hbm4b:s4+s2], $0x80, v3, vm0, $0xb8;
	[tilespmem:$0x19200] =	vst v63  }
0x158: {  	_ =	swait.ge [sflag:s28], $0x7800  }
0x159: {  	[sflag:s28] =	ssyncset.done $0x0  }
0x15a: {  	[sflag:s28] =	ssyncadd.s32 $0xFFFF8800  }
0x15b: {  	_ =	swait.ge [sflag:s29], $0x5000  }
0x15c: {  	[sflag:s29] =	ssyncset.done $0x0  }
0x15d: {  	[sflag:s29] =	ssyncadd.s32 $0xFFFFB000  }
0x15e: {  	[hbm4b:s0+s2] =	stream.linear.scatter [tilespmem:s17], [sflag:$0x5], $0x7800, $0x38;
	[tilespmem:$0x19200] =	vst v63  }
0x15f: {  	s9 =	sadd.s32 $0xFFFFF600, s6  }
0x160: {  	[hbm4b:s9+s2] =	stream.linear.scatter [tilespmem:s10], [sflag:$0x7], $0x5000, $0x38;
	[tilespmem:$0x19200] =	vst v63  }
0x161: {  	_ =	swait.ge [sflag:s30], $0x7800  }
0x162: {  	[sflag:s30] =	ssyncset.done $0x0  }
0x163: {  	[sflag:s30] =	ssyncadd.s32 $0xFFFF8800  }
0x164: {  	_ =	swait.ge [sflag:s31], $0x5000  }
0x165: {  	[sflag:s31] =	ssyncset.done $0x0  }
0x166: {  	[sflag:s31] =	ssyncadd.s32 $0xFFFFB000  }
0x167: {  	[hbm4b:s1+s2] =	stream.linear.scatter [tilespmem:s25], [sflag:$0x6], $0x7800, $0x38;
	[tilespmem:$0x19200] =	vst v63  }
0x168: {  	_ = 	snop  }
0x169: {  	[hbm4b:s6+s2] =	stream.linear.scatter [tilespmem:s26], [sflag:$0x8], $0x5000, $0x38;
	[tilespmem:$0x19200] =	vst v63  }
0x16a: {  	_ =	swait.ge [sflag:s28], $0x7800  }
0x16b: {  	[sflag:s28] =	ssyncset.done $0x0  }
0x16c: {  	[sflag:s28] =	ssyncadd.s32 $0xFFFF8800  }
0x16d: {  	_ =	swait.ge [sflag:s29], $0x5000  }
0x16e: {  	[sflag:s29] =	ssyncset.done $0x0  }
0x16f: {  	[sflag:s29] =	ssyncadd.s32 $0xFFFFB000  }
0x170: {  	p0 =	sne.s32 s7, $0x4C4;
	_ =	swait.ge [sflag:s30], $0x7800  }
.Ltmp0:
0x171: {  	[sflag:s30] =	ssyncset.done $0x0;
	(pc) =	sbr.rel @p0 .LBB2_2-.Ltmp0, $4  }
0x172: {  	[sflag:s30] =	ssyncadd.s32 $0xFFFF8800  }
0x173: {  	s11 =	simm.s32 $0x100;
	_ =	swait.ge [sflag:s31], $0x5000  }
0x174: {  	s7 =	sadd.s32 $0x14, s7;
	s0 =	sadd.s32 $0x1E00, s0;
	[sflag:s31] =	ssyncset.done $0x0  }
0x175: {  	s1 =	sadd.s32 $0x1E00, s1;
	s6 =	sadd.s32 $0x1400, s6;
	[sflag:s31] =	ssyncadd.s32 $0xFFFFB000  }
0x176: {  	s0 =	sld [smem:$0x7F1];
	_ =	sdelay $0x2  }
0x177: {  	[tilespmem:s2], [sflag:$0x1] =	stream.linear.gather [hbm4b:s0+s2], $0x50, $0x38;
	[tilespmem:$0x19200] =	vst v63  }
0x178: {  	_ =	swait.ge [sflag:s15], $0x50  }
0x179: {  	s1 =	sld [smem:$0x7F2]  }
0x17a: {  	[sflag:s15] =	ssyncset.done $0x0  }
0x17b: {  	[sflag:s15] =	ssyncadd.s32 $0xFFFFFFB0  }
0x17c: {  	[tilespmem:s11], [sflag:$0x3] =	stream.linear.gather [hbm4b:s1+s2], $0x50, $0x38;
	[tilespmem:$0x19200] =	vst v63  }
0x17d: {  	_ =	swait.ge [sflag:s16], $0x50  }
0x17e: {  	[sflag:s16] =	ssyncset.done $0x0  }
0x17f: {  	[sflag:s16] =	ssyncadd.s32 $0xFFFFFFB0  }
0x180: {  	v3 =	vld [tilespmem:$0x100];
	_ =	sdelay $0x4  }
0x181: {  	v4 =	vshrl.u32 v3, $0x3  }
0x182: {  	v4 =	vmul.u32 $0x18, v4  }
0x183: {  	v3 =	vand.u32 $0x7, v3  }
0x184: {  	v3 =	vor.u32 v3, v4  }
0x185: {  	v4 =	vperm.xlane v3, v0;
	_ =	sdelay $0x1  }
0x186: {  	v4 =	vadd.s32 v1, v4;
	_ =	sdelay $0x1  }
0x187: {  	v3 =	vperm.xlane v3, v2;
	_ =	sdelay $0x1  }
0x188: {  	v3 =	vadd.s32 v1, v3  }
0x189: {  	[tilespmem:s17], [sflag:$0x5] =	stream.indirect_vreg.gather [hbm4b:s3+s2], $0x80, v4, vm0, $0xb8;
	[tilespmem:$0x19200] =	vst v63  }
0x18a: {  	_ = 	snop  }
0x18b: {  	[tilespmem:s12], [sflag:$0x5] =	stream.indirect_vreg.gather [hbm4b:s5+s2], $0x80, v4, vm1, $0xb8;
	[tilespmem:$0x19200] =	vst v63  }
0x18c: {  	_ = 	snop  }
0x18d: {  	[tilespmem:s13], [sflag:$0x5] =	stream.indirect_vreg.gather [hbm4b:s3+s2], $0x80, v3, vm0, $0xb8;
	[tilespmem:$0x19200] =	vst v63  }
0x18e: {  	_ = 	snop  }
0x18f: {  	[tilespmem:s14], [sflag:$0x5] =	stream.indirect_vreg.gather [hbm4b:s5+s2], $0x80, v3, vm1, $0xb8;
	[tilespmem:$0x19200] =	vst v63  }
0x190: {  	v3 =	vld [tilespmem:$0x110];
	_ =	sdelay $0x4  }
0x191: {  	v55 =	vshrl.u32 v3, $0x3  }
0x192: {  	v4 =	vmul.u32 $0x18, v55  }
0x193: {  	v3 =	vand.u32 $0x7, v3  }
0x194: {  	v3 =	vor.u32 v3, v4  }
0x195: {  	v4 =	vperm.xlane v3, v0;
	_ =	sdelay $0x1  }
0x196: {  	v4 =	vadd.s32 v1, v4;
	_ =	sdelay $0x1  }
0x197: {  	v3 =	vperm.xlane v3, v2;
	_ =	sdelay $0x1  }
0x198: {  	v3 =	vadd.s32 v1, v3  }
0x199: {  	[tilespmem:s18], [sflag:$0x5] =	stream.indirect_vreg.gather [hbm4b:s3+s2], $0x80, v4, vm0, $0xb8;
	[tilespmem:$0x19200] =	vst v63  }
0x19a: {  	_ = 	snop  }
0x19b: {  	[tilespmem:s19], [sflag:$0x5] =	stream.indirect_vreg.gather [hbm4b:s5+s2], $0x80, v4, vm1, $0xb8;
	[tilespmem:$0x19200] =	vst v63  }
0x19c: {  	_ = 	snop  }
0x19d: {  	[tilespmem:s20], [sflag:$0x5] =	stream.indirect_vreg.gather [hbm4b:s3+s2], $0x80, v3, vm0, $0xb8;
	[tilespmem:$0x19200] =	vst v63  }
0x19e: {  	_ = 	snop  }
0x19f: {  	[tilespmem:s21], [sflag:$0x5] =	stream.indirect_vreg.gather [hbm4b:s5+s2], $0x80, v3, vm1, $0xb8;
	[tilespmem:$0x19200] =	vst v63  }
0x1a0: {  	v3 =	vld [tilespmem:$0x120];
	_ =	sdelay $0x4  }
0x1a1: {  	v56 =	vshrl.u32 v3, $0x3  }
0x1a2: {  	v4 =	vmul.u32 $0x18, v56  }
0x1a3: {  	v3 =	vand.u32 $0x7, v3  }
0x1a4: {  	v3 =	vor.u32 v3, v4  }
0x1a5: {  	v4 =	vperm.xlane v3, v0;
	_ =	sdelay $0x1  }
0x1a6: {  	v4 =	vadd.s32 v1, v4;
	_ =	sdelay $0x1  }
0x1a7: {  	v3 =	vperm.xlane v3, v2;
	_ =	sdelay $0x1  }
0x1a8: {  	v3 =	vadd.s32 v1, v3  }
0x1a9: {  	[tilespmem:s22], [sflag:$0x5] =	stream.indirect_vreg.gather [hbm4b:s3+s2], $0x80, v4, vm0, $0xb8;
	[tilespmem:$0x19200] =	vst v63  }
0x1aa: {  	s6 =	simm.s32 $0x3A00  }
0x1ab: {  	[tilespmem:s6], [sflag:$0x5] =	stream.indirect_vreg.gather [hbm4b:s5+s2], $0x80, v4, vm1, $0xb8;
	[tilespmem:$0x19200] =	vst v63  }
0x1ac: {  	s7 =	simm.s32 $0x3E00  }
0x1ad: {  	[tilespmem:s7], [sflag:$0x5] =	stream.indirect_vreg.gather [hbm4b:s3+s2], $0x80, v3, vm0, $0xb8;
	[tilespmem:$0x19200] =	vst v63  }
0x1ae: {  	s8 =	simm.s32 $0x4600  }
0x1af: {  	[tilespmem:s8], [sflag:$0x5] =	stream.indirect_vreg.gather [hbm4b:s5+s2], $0x80, v3, vm1, $0xb8;
	[tilespmem:$0x19200] =	vst v63  }
0x1b0: {  	v3 =	vld [tilespmem:$0x130];
	_ =	sdelay $0x4  }
0x1b1: {  	v57 =	vshrl.u32 v3, $0x3  }
0x1b2: {  	v4 =	vmul.u32 $0x18, v57  }
0x1b3: {  	v3 =	vand.u32 $0x7, v3  }
0x1b4: {  	v3 =	vor.u32 v3, v4  }
0x1b5: {  	v4 =	vperm.xlane v3, v0;
	_ =	sdelay $0x1  }
0x1b6: {  	v4 =	vadd.s32 v1, v4;
	_ =	sdelay $0x1  }
0x1b7: {  	v3 =	vperm.xlane v3, v2;
	_ =	sdelay $0x1  }
0x1b8: {  	s9 =	simm.s32 $0x4A00;
	v3 =	vadd.s32 v1, v3  }
0x1b9: {  	[tilespmem:s9], [sflag:$0x5] =	stream.indirect_vreg.gather [hbm4b:s3+s2], $0x80, v4, vm0, $0xb8;
	[tilespmem:$0x19200] =	vst v63  }
0x1ba: {  	s12 =	simm.s32 $0x5200  }
0x1bb: {  	[tilespmem:s12], [sflag:$0x5] =	stream.indirect_vreg.gather [hbm4b:s5+s2], $0x80, v4, vm1, $0xb8;
	[tilespmem:$0x19200] =	vst v63  }
0x1bc: {  	s1 =	simm.s32 $0x5600  }
0x1bd: {  	[tilespmem:s1], [sflag:$0x5] =	stream.indirect_vreg.gather [hbm4b:s3+s2], $0x80, v3, vm0, $0xb8;
	[tilespmem:$0x19200] =	vst v63  }
0x1be: {  	s6 =	simm.s32 $0x5E00  }
0x1bf: {  	[tilespmem:s6], [sflag:$0x5] =	stream.indirect_vreg.gather [hbm4b:s5+s2], $0x80, v3, vm1, $0xb8;
	[tilespmem:$0x19200] =	vst v63  }
0x1c0: {  	v3 =	vld [tilespmem:$0x140];
	_ =	sdelay $0x4  }
0x1c1: {  	v58 =	vshrl.u32 v3, $0x3  }
0x1c2: {  	v4 =	vmul.u32 $0x18, v58  }
0x1c3: {  	v3 =	vand.u32 $0x7, v3  }
0x1c4: {  	v3 =	vor.u32 v3, v4  }
0x1c5: {  	v4 =	vperm.xlane v3, v0;
	_ =	sdelay $0x1  }
0x1c6: {  	v4 =	vadd.s32 v1, v4;
	_ =	sdelay $0x1  }
0x1c7: {  	v3 =	vperm.xlane v3, v2;
	_ =	sdelay $0x1  }
0x1c8: {  	s7 =	simm.s32 $0x6200;
	v3 =	vadd.s32 v1, v3  }
0x1c9: {  	[tilespmem:s7], [sflag:$0x5] =	stream.indirect_vreg.gather [hbm4b:s3+s2], $0x80, v4, vm0, $0xb8;
	[tilespmem:$0x19200] =	vst v63  }
0x1ca: {  	s8 =	simm.s32 $0x6A00  }
0x1cb: {  	[tilespmem:s8], [sflag:$0x5] =	stream.indirect_vreg.gather [hbm4b:s5+s2], $0x80, v4, vm1, $0xb8;
	[tilespmem:$0x19200] =	vst v63  }
0x1cc: {  	s9 =	simm.s32 $0x6E00  }
0x1cd: {  	[tilespmem:s9], [sflag:$0x5] =	stream.indirect_vreg.gather [hbm4b:s3+s2], $0x80, v3, vm0, $0xb8;
	[tilespmem:$0x19200] =	vst v63  }
0x1ce: {  	s12 =	simm.s32 $0x7600  }
0x1cf: {  	[tilespmem:s12], [sflag:$0x5] =	stream.indirect_vreg.gather [hbm4b:s5+s2], $0x80, v3, vm1, $0xb8;
	[tilespmem:$0x19200] =	vst v63  }
0x1d0: {  	v3 =	vld [tilespmem:$0x0];
	_ =	sdelay $0x4  }
0x1d1: {  	v59 =	vshll.u32 v3, $0x1  }
0x1d2: {  	v3 =	vand.u32 $0x7, v3;
	v4 =	vand.u32 $0xFFFFFFF0, v59  }
0x1d3: {  	v3 =	vor.u32 v3, v4  }
0x1d4: {  	v4 =	vperm.xlane v3, v0;
	_ =	sdelay $0x1  }
0x1d5: {  	v3 =	vperm.xlane v3, v2;
	v4 =	vadd.s32 v1, v4;
	_ =	sdelay $0x1  }
0x1d6: {  	v3 =	vadd.s32 v1, v3;
	_ =	sdelay $0x2  }
0x1d7: {  	[tilespmem:s10], [sflag:$0x7] =	stream.indirect_vreg.gather [hbm4b:s4+s2], $0x80, v4, vm0, $0xb8;
	[tilespmem:$0x19200] =	vst v63  }
0x1d8: {  	s1 =	simm.s32 $0xFA00  }
0x1d9: {  	[tilespmem:s1], [sflag:$0x7] =	stream.indirect_vreg.gather [hbm4b:s4+s2], $0x80, v3, vm0, $0xb8;
	[tilespmem:$0x19200] =	vst v63  }
0x1da: {  	v3 =	vld [tilespmem:$0x10];
	_ =	sdelay $0x4  }
0x1db: {  	v60 =	vshll.u32 v3, $0x1  }
0x1dc: {  	v3 =	vand.u32 $0x7, v3;
	v4 =	vand.u32 $0xFFFFFFF0, v60  }
0x1dd: {  	v3 =	vor.u32 v3, v4  }
0x1de: {  	v4 =	vperm.xlane v3, v0;
	_ =	sdelay $0x1  }
0x1df: {  	v3 =	vperm.xlane v3, v2;
	v4 =	vadd.s32 v1, v4;
	_ =	sdelay $0x1  }
0x1e0: {  	v3 =	vadd.s32 v1, v3;
	_ =	sdelay $0x1  }
0x1e1: {  	s6 =	simm.s32 $0x10200  }
0x1e2: {  	[tilespmem:s6], [sflag:$0x7] =	stream.indirect_vreg.gather [hbm4b:s4+s2], $0x80, v4, vm0, $0xb8;
	[tilespmem:$0x19200] =	vst v63  }
0x1e3: {  	s7 =	simm.s32 $0x10A00  }
0x1e4: {  	[tilespmem:s7], [sflag:$0x7] =	stream.indirect_vreg.gather [hbm4b:s4+s2], $0x80, v3, vm0, $0xb8;
	[tilespmem:$0x19200] =	vst v63  }
0x1e5: {  	v3 =	vld [tilespmem:$0x20];
	_ =	sdelay $0x4  }
0x1e6: {  	v61 =	vshll.u32 v3, $0x1  }
0x1e7: {  	v3 =	vand.u32 $0x7, v3;
	v4 =	vand.u32 $0xFFFFFFF0, v61  }
0x1e8: {  	v3 =	vor.u32 v3, v4  }
0x1e9: {  	v4 =	vperm.xlane v3, v0;
	_ =	sdelay $0x1  }
0x1ea: {  	v3 =	vperm.xlane v3, v2;
	v4 =	vadd.s32 v1, v4;
	_ =	sdelay $0x1  }
0x1eb: {  	v3 =	vadd.s32 v1, v3;
	_ =	sdelay $0x1  }
0x1ec: {  	s8 =	simm.s32 $0x11200  }
0x1ed: {  	[tilespmem:s8], [sflag:$0x7] =	stream.indirect_vreg.gather [hbm4b:s4+s2], $0x80, v4, vm0, $0xb8;
	[tilespmem:$0x19200] =	vst v63  }
0x1ee: {  	s9 =	simm.s32 $0x11A00  }
0x1ef: {  	[tilespmem:s9], [sflag:$0x7] =	stream.indirect_vreg.gather [hbm4b:s4+s2], $0x80, v3, vm0, $0xb8;
	[tilespmem:$0x19200] =	vst v63  }
0x1f0: {  	v3 =	vld [tilespmem:$0x30];
	_ =	sdelay $0x4  }
0x1f1: {  	v62 =	vshll.u32 v3, $0x1  }
0x1f2: {  	v3 =	vand.u32 $0x7, v3;
	v4 =	vand.u32 $0xFFFFFFF0, v62  }
0x1f3: {  	v3 =	vor.u32 v3, v4  }
0x1f4: {  	v4 =	vperm.xlane v3, v0;
	_ =	sdelay $0x1  }
0x1f5: {  	v3 =	vperm.xlane v3, v2;
	v4 =	vadd.s32 v1, v4;
	_ =	sdelay $0x1  }
0x1f6: {  	v3 =	vadd.s32 v1, v3;
	_ =	sdelay $0x1  }
0x1f7: {  	s12 =	simm.s32 $0x12200  }
0x1f8: {  	[tilespmem:s12], [sflag:$0x7] =	stream.indirect_vreg.gather [hbm4b:s4+s2], $0x80, v4, vm0, $0xb8;
	[tilespmem:$0x19200] =	vst v63  }
0x1f9: {  	s1 =	simm.s32 $0x12A00  }
0x1fa: {  	[tilespmem:s1], [sflag:$0x7] =	stream.indirect_vreg.gather [hbm4b:s4+s2], $0x80, v3, vm0, $0xb8;
	[tilespmem:$0x19200] =	vst v63  }
0x1fb: {  	v3 =	vld [tilespmem:$0x40];
	_ =	sdelay $0x4  }
0x1fc: {  	v63 =	vshll.u32 v3, $0x1  }
0x1fd: {  	v3 =	vand.u32 $0x7, v3;
	v4 =	vand.u32 $0xFFFFFFF0, v63  }
0x1fe: {  	v3 =	vor.u32 v3, v4  }
0x1ff: {  	v4 =	vperm.xlane v3, v0;
	_ =	sdelay $0x1  }
0x200: {  	v3 =	vperm.xlane v3, v2;
	v4 =	vadd.s32 v1, v4;
	_ =	sdelay $0x1  }
0x201: {  	v3 =	vadd.s32 v1, v3;
	_ =	sdelay $0x1  }
0x202: {  	s6 =	simm.s32 $0x13200  }
0x203: {  	[tilespmem:s6], [sflag:$0x7] =	stream.indirect_vreg.gather [hbm4b:s4+s2], $0x80, v4, vm0, $0xb8;
	[tilespmem:$0x19200] =	vst v63  }
0x204: {  	s7 =	simm.s32 $0x13A00  }
0x205: {  	[tilespmem:s7], [sflag:$0x7] =	stream.indirect_vreg.gather [hbm4b:s4+s2], $0x80, v3, vm0, $0xb8;
	[tilespmem:$0x19200] =	vst v63  }
0x206: {  	_ =	swait.ge [sflag:s28], $0x7800  }
0x207: {  	[sflag:s28] =	ssyncset.done $0x0  }
0x208: {  	[sflag:s28] =	ssyncadd.s32 $0xFFFF8800  }
0x209: {  	_ =	swait.ge [sflag:s29], $0x5000  }
0x20a: {  	s8 =	sld [smem:$0x7F3]  }
0x20b: {  	[sflag:s29] =	ssyncset.done $0x0  }
0x20c: {  	s9 =	sld [smem:$0x7F4];
	[sflag:s29] =	ssyncadd.s32 $0xFFFFB000  }
0x20d: {  	[hbm4b:s8+s2] =	stream.linear.scatter [tilespmem:s17], [sflag:$0x5], $0x7800, $0x38;
	[tilespmem:$0x19200] =	vst v63  }
0x20e: {  	_ = 	snop  }
0x20f: {  	[hbm4b:s9+s2] =	stream.linear.scatter [tilespmem:s10], [sflag:$0x7], $0x5000, $0x38;
	[tilespmem:$0x19200] =	vst v63  }
0x210: {  	_ =	swait.ge [sflag:s28], $0x7800  }
0x211: {  	[sflag:s28] =	ssyncset.done $0x0  }
0x212: {  	[sflag:s28] =	ssyncadd.s32 $0xFFFF8800  }
0x213: {  	_ =	swait.ge [sflag:s29], $0x5000  }
0x214: {  	s1 =	sld [smem:$0x7F0]  }
0x215: {  	s12 =	sld [smem:$0x7F5];
	_ =	sdelay $0x1  }
0x216: {  	s1 =	sadd.s32 $0x1, s1  }
0x217: {  	p0 =	sne.s32 s1, s12  }
.Ltmp1:
0x218: {  	_ = 	snop;
	(pc) =	sbr.rel @p0 .LBB2_1-.Ltmp1, $3  }
0x219: {  	_ =	sdelay $0x1  }
0x21a: {  	[sflag:s29] =	ssyncset.done $0x0  }
0x21b: {  	[sflag:s29] =	ssyncadd.s32 $0xFFFFB000  }
0x21c: {  	_ =	sfence.sel $0x180000  }
0x21d: {  	[bflag:$0x0] =	sbarrier.arrive $0xFFFF  }
0x21e: {  	_ =	strace $0x90000047  }
0x21f: {  	s0 =	stileid.u32;
	[bflag:$0x2] =	sbarrier.arrive $0xFFFF  }
0x220: {  	p0 =	sne.s32 s0, $0x0;
	s0 =	rddreg [dreg:$0x2]  }
0x221: {  	s0 =	sadd.s32 @!p0 $0x100000, s0  }
0x222: {  	[sflag:s0] =	ssyncadd.tile.s32 @!p0 $0x1;
	_ =	shalt  }
.Lfunc_end2:
_tile_overlayer_lowered:
.L_overlay_start_2:
0x223: {  	(tag) =	ssettag $0x2  }
0x224: {  	s0 =	rddreg [dreg:$0x0];
	s2 =	stileid.u32  }
0x225: {  	s1 =	rddreg [dreg:$0x1];
	p0 =	sne.s32 s2, $0x0  }
0x226: {  	s3 =	rddreg [dreg:$0x2];
	[bflag:$0x3] =	sbarrier.arrive $0xFFFF;
	s2 =	simm.s32 @!p0 $0x1C09  }
0x227: {  	[timem:s3], [sflag:s2] =	dma.local @!p0 [hbm:s0], s1  }
0x228: {  	s0 =	simm.s32 @!p0 $0x9  }
0x229: {  	_ =	swait.ge @!p0 [sflag:s0], s1  }
0x22a: {  	s1 =	ssub.s32 @!p0 $0x0, s1;
	[sflag:s0] =	ssyncset.done @!p0 $0x0  }
0x22b: {  	[sflag:s0] =	ssyncadd.s32 @!p0 s1  }
0x22c: {  	[bflag:$0x3] =	sbarrier.arrive $0xFFFF  }
0x22d: {  	_ =	shalt  }

</sc_bundles>
